<compile_context>
chip_gen: v7x
topology: tpu7x:2x2x1
jax: 0.10.2.dev20260603
libtpu: 0.0.44.dev20260713+nightly
codegen_flags: <defaults>
</compile_context>

<pallas_src>
import functools

import jax
import jax.numpy as jnp
from jax import lax
from jax.experimental import pallas as pl
from jax.experimental.pallas import tpu as pltpu
from jax.experimental.pallas import tpu_sc as plsc


def _build():
    info = plsc.get_sparse_core_info()
    NW = info.num_cores * info.num_subcores
    N_TASKS = 25 * 128
    per_w = N_TASKS // NW
    NBUF = 2

    mesh = plsc.VectorSubcoreMesh(core_axis_name="c", subcore_axis_name="s")

    @functools.partial(
        pl.kernel,
        mesh=mesh,
        out_type=jax.ShapeDtypeStruct((200, 4, 128, 8, 128), jnp.float32),
        scratch_types=[
            pltpu.VMEM((NBUF, 8, 128), jnp.int32),
            pltpu.VMEM((NBUF, 8, 128, 32), jnp.float32),
            pltpu.VMEM((8, 32, 129), jnp.float32),
            pltpu.SemaphoreType.DMA((NBUF,)),
            pltpu.SemaphoreType.DMA((NBUF,)),
            pltpu.SemaphoreType.DMA,
        ],
        compiler_params=pltpu.CompilerParams(use_tc_tiling_on_sc=False,
                                             needs_layout_passes=False),
    )
    def k(x5, table, out5, idx_v, rows_v, trans_v, isem, gsem, osem):
        wid = lax.axis_index("s") * info.num_cores + lax.axis_index("c")
        t0 = wid * per_w

        def coords(t):
            T = t0 + t
            return T // 128, lax.rem(T, 128)

        def idx_desc(t, slot):
            st, it = coords(t)
            return pltpu.make_async_copy(x5.at[st, it], idx_v.at[slot],
                                         isem.at[slot])

        def gather_descs(t, slot):
            return [pltpu.make_async_copy(table.at[idx_v.at[slot, sr]],
                                          rows_v.at[slot, sr], gsem.at[slot])
                    for sr in range(8)]

        def out_descs(t):
            st, it = coords(t)
            return [pltpu.make_async_copy(
                        trans_v.at[:, pl.ds(dt * 8, 8), pl.ds(0, 128)],
                        out5.at[pl.ds(st * 8, 8), dt, it],
                        osem)
                    for dt in range(4)]

        idx_desc(0, 0).start()
        idx_desc(0, 0).wait()
        for d in gather_descs(0, 0):
            d.start()
        idx_desc(1, 1).start()

        def body(t, _):
            slot = lax.rem(t, NBUF)
            nslot = lax.rem(t + 1, NBUF)

            @pl.when(t + 1 < per_w)
            def _():
                idx_desc(t + 1, nslot).wait()
                for d in gather_descs(t + 1, nslot):
                    d.start()

            for d in gather_descs(t, slot):
                d.wait()

            @pl.when(t + 2 < per_w)
            def _():
                idx_desc(t + 2, slot).start()

            @pl.when(t > 0)
            def _():
                for d in out_descs(t - 1):
                    d.wait()

            @plsc.parallel_loop(0, 1024, unroll=8)
            def tr(j):
                sr = lax.shift_right_logical(j, 7)
                ic = lax.bitwise_and(j, 127)
                tr_sr = trans_v.at[sr]
                cvec = jnp.full((16,), 1, jnp.int32) * ic
                for k in range(2):
                    rvec = lax.iota(jnp.int32, 16) + (k * 16)
                    v = rows_v[slot, sr, ic, pl.ds(k * 16, 16)]
                    plsc.store_scatter(tr_sr, [rvec, cvec], v)

            for d in out_descs(t):
                d.start()
            return 0

        lax.fori_loop(0, per_w, body, 0)

        for d in out_descs(per_w - 1):
            d.wait()

    return k


_KERNEL = None


def kernel(x, emb_weight):
    global _KERNEL
    if _KERNEL is None:
        _KERNEL = _build()
    x5 = x.T.reshape(25, 8, 128, 128).transpose(0, 2, 1, 3)
    out5 = _KERNEL(x5, emb_weight)
    out_t = jnp.transpose(out5, (2, 4, 0, 1, 3))
    return out_t.reshape(16384, 200, 32)

# --- scband reference (transcript-rebuilt; emitter-appended) ---
"""Pipeline reference for scband-station-embedding-81698867904534 (READ-ONLY COPY).

The authoritative reference and input builder live on the scoring server;
editing this copy changes nothing except your own understanding.
"""

import jax, jax.numpy as jnp
import numpy as np

VOCAB = 134513
DIM = 32

def setup_inputs(seed: int = 0) -> dict:
    key = jax.random.key(seed)
    k1, k2 = jax.random.split(key)
    x = jax.random.randint(k1, (16384, 200), 0, VOCAB, dtype=jnp.int64 if jax.config.jax_enable_x64 else jnp.int32)
    emb_weight = jax.random.normal(k2, (VOCAB, DIM), dtype=jnp.float32)
    return {"x": x, "emb_weight": emb_weight}

def reference(x, emb_weight):
    # Equivalent of nn.Embedding lookup: gather rows of the table
    return jnp.take(emb_weight, x, axis=0)

if __name__ == "__main__":
    import jax
    _d = setup_inputs()
    print(jax.jit(kernel)(*tuple(_d.values())))

</pallas_src>

<mosaic_0001>
#map = affine_map<(d0, d1) -> (0, 0, 0, 0)>
#map1 = affine_map<(d0, d1) -> (0, 0)>
#map2 = affine_map<(d0, d1) -> (0, 0, 0, 0, 0)>
module attributes {stable_mosaic.version = 14 : i64} {
  func.func @k(%arg0: i32, %arg1: i32, %arg2: memref<25x128x8x128xi32, #tpu.memory_space<hbm>>, %arg3: memref<134513x32xf32, #tpu.memory_space<hbm>>, %arg4: memref<200x4x128x8x128xf32, #tpu.memory_space<hbm>>, %arg5: memref<2x8x128xi32, #tpu.memory_space<vmem>>, %arg6: memref<2x8x128x32xf32, #tpu.memory_space<vmem>>, %arg7: memref<8x32x129xf32, #tpu.memory_space<vmem>>, %arg8: memref<2x!tpu.dma_semaphore, #tpu.memory_space<semaphore_mem>>, %arg9: memref<2x!tpu.dma_semaphore, #tpu.memory_space<semaphore_mem>>, %arg10: memref<!tpu.dma_semaphore, #tpu.memory_space<semaphore_mem>>) attributes {dimension_semantics = [#tpu.dimension_semantics<core_parallel>, #tpu.dimension_semantics<subcore_parallel>], iteration_bounds = array<i64: 2, 16>, scalar_prefetch = 0 : i64, scratch_operands = 6 : i64, tpu.core_type = #tpu.core_type<sc_vector_subcore>, window_params = [{transform_indices = #map}, {transform_indices = #map1}, {transform_indices = #map2}]} {
    %mul3A = arith.constant 2 : i32
    %mul3A_0 = arith.muli %arg1, %mul3A : i32
    %add3A = arith.addi %mul3A_0, %arg0 : i32
    %mul3A_1 = arith.constant 100 : i32
    %mul3A_2 = arith.muli %add3A, %mul3A_1 : i32
    %add3A_3 = arith.constant 0 : i32
    %add3A_4 = arith.addi %mul3A_2, %add3A_3 : i32
    %jit3A = arith.constant 128 : i32
    %div3A = arith.divsi %add3A_4, %jit3A : i32
    %sign3A = arith.constant 0 : i32
    %sign3A_5 = arith.cmpi sgt, %add3A_4, %sign3A : i32
    %sign3A_6 = arith.extui %sign3A_5 : i1 to i32
    %sign3A_7 = arith.constant 0 : i32
    %sign3A_8 = arith.cmpi slt, %add3A_4, %sign3A_7 : i32
    %sign3A_9 = arith.extui %sign3A_8 : i1 to i32
    %sign3A_10 = arith.subi %sign3A_6, %sign3A_9 : i32
    %sign3A_11 = arith.constant 0 : i32
    %sign3A_12 = arith.cmpi sgt, %jit3A, %sign3A_11 : i32
    %sign3A_13 = arith.extui %sign3A_12 : i1 to i32
    %sign3A_14 = arith.constant 0 : i32
    %sign3A_15 = arith.cmpi slt, %jit3A, %sign3A_14 : i32
    %sign3A_16 = arith.extui %sign3A_15 : i1 to i32
    %sign3A_17 = arith.subi %sign3A_13, %sign3A_16 : i32
    %ne3A = arith.cmpi ne, %sign3A_10, %sign3A_17 : i32
    %rem3A = arith.remsi %add3A_4, %jit3A : i32
    %ne3A_18 = arith.constant 0 : i32
    %ne3A_19 = arith.cmpi ne, %rem3A, %ne3A_18 : i32
    %and3A = arith.andi %ne3A, %ne3A_19 : i1
    %sub3A = arith.constant 1 : i32
    %sub3A_20 = arith.subi %div3A, %sub3A : i32
    %select_n3A = arith.select %and3A, %sub3A_20, %div3A : i32
    %rem3A_21 = arith.constant 128 : i32
    %rem3A_22 = arith.remsi %add3A_4, %rem3A_21 : i32
    %dma_start3A = arith.constant 0 : i32
    %dma_start3A_23 = arith.constant 0 : i32
    %dma_start3A_24 = arith.constant 0 : i32
    %dma_start3A_25 = arith.constant 0 : i32
    %dma_start3A_26 = tpu.memref_slice %arg5[%dma_start3A, %dma_start3A_24, %dma_start3A_25] : memref<2x8x128xi32, #tpu.memory_space<vmem>> -> memref<1x8x128xi32, #tpu.memory_space<vmem>>
    %dma_start3A_27 = tpu.memref_squeeze %dma_start3A_26 : memref<1x8x128xi32, #tpu.memory_space<vmem>> -> memref<8x128xi32, #tpu.memory_space<vmem>>
    %dma_start3A_28 = arith.constant 0 : i32
    %dma_start3A_29 = arith.constant 0 : i32
    %dma_start3A_30 = tpu.memref_slice %arg2[%select_n3A, %rem3A_22, %dma_start3A_28, %dma_start3A_29] : memref<25x128x8x128xi32, #tpu.memory_space<hbm>> -> memref<1x1x8x128xi32, #tpu.memory_space<hbm>>
    %dma_start3A_31 = tpu.memref_squeeze %dma_start3A_30 : memref<1x1x8x128xi32, #tpu.memory_space<hbm>> -> memref<8x128xi32, #tpu.memory_space<hbm>>
    %dma_start3A_32 = tpu.memref_slice %arg8[%dma_start3A_23] : memref<2x!tpu.dma_semaphore, #tpu.memory_space<semaphore_mem>> -> memref<1x!tpu.dma_semaphore, #tpu.memory_space<semaphore_mem>>
    %dma_start3A_33 = tpu.memref_squeeze %dma_start3A_32 : memref<1x!tpu.dma_semaphore, #tpu.memory_space<semaphore_mem>> -> memref<!tpu.dma_semaphore, #tpu.memory_space<semaphore_mem>>
    %dma_start3A_34 = arith.constant 0 : i32
    %dma_start3A_35 = arith.constant 0 : i32
    %dma_start3A_36 = tpu.memref_slice %arg5[%dma_start3A, %dma_start3A_34, %dma_start3A_35] : memref<2x8x128xi32, #tpu.memory_space<vmem>> -> memref<1x8x128xi32, #tpu.memory_space<vmem>>
    %dma_start3A_37 = tpu.memref_squeeze %dma_start3A_36 : memref<1x8x128xi32, #tpu.memory_space<vmem>> -> memref<8x128xi32, #tpu.memory_space<vmem>>
    %dma_start3A_38 = arith.constant 0 : i32
    %dma_start3A_39 = arith.constant 0 : i32
    %dma_start3A_40 = tpu.memref_slice %arg2[%select_n3A, %rem3A_22, %dma_start3A_38, %dma_start3A_39] : memref<25x128x8x128xi32, #tpu.memory_space<hbm>> -> memref<1x1x8x128xi32, #tpu.memory_space<hbm>>
    %dma_start3A_41 = tpu.memref_squeeze %dma_start3A_40 : memref<1x1x8x128xi32, #tpu.memory_space<hbm>> -> memref<8x128xi32, #tpu.memory_space<hbm>>
    tpu.enqueue_dma source(%dma_start3A_41 : memref<8x128xi32, #tpu.memory_space<hbm>>) target(%dma_start3A_37 : memref<8x128xi32, #tpu.memory_space<vmem>>) target_semaphore(%dma_start3A_33 : memref<!tpu.dma_semaphore, #tpu.memory_space<semaphore_mem>>)
    %add3A_42 = arith.constant 0 : i32
    %add3A_43 = arith.addi %mul3A_2, %add3A_42 : i32
    %jit3A_44 = arith.constant 128 : i32
    %div3A_45 = arith.divsi %add3A_43, %jit3A_44 : i32
    %sign3A_46 = arith.constant 0 : i32
    %sign3A_47 = arith.cmpi sgt, %add3A_43, %sign3A_46 : i32
    %sign3A_48 = arith.extui %sign3A_47 : i1 to i32
    %sign3A_49 = arith.constant 0 : i32
    %sign3A_50 = arith.cmpi slt, %add3A_43, %sign3A_49 : i32
    %sign3A_51 = arith.extui %sign3A_50 : i1 to i32
    %sign3A_52 = arith.subi %sign3A_48, %sign3A_51 : i32
    %sign3A_53 = arith.constant 0 : i32
    %sign3A_54 = arith.cmpi sgt, %jit3A_44, %sign3A_53 : i32
    %sign3A_55 = arith.extui %sign3A_54 : i1 to i32
    %sign3A_56 = arith.constant 0 : i32
    %sign3A_57 = arith.cmpi slt, %jit3A_44, %sign3A_56 : i32
    %sign3A_58 = arith.extui %sign3A_57 : i1 to i32
    %sign3A_59 = arith.subi %sign3A_55, %sign3A_58 : i32
    %ne3A_60 = arith.cmpi ne, %sign3A_52, %sign3A_59 : i32
    %rem3A_61 = arith.remsi %add3A_43, %jit3A_44 : i32
    %ne3A_62 = arith.constant 0 : i32
    %ne3A_63 = arith.cmpi ne, %rem3A_61, %ne3A_62 : i32
    %and3A_64 = arith.andi %ne3A_60, %ne3A_63 : i1
    %sub3A_65 = arith.constant 1 : i32
    %sub3A_66 = arith.subi %div3A_45, %sub3A_65 : i32
    %select_n3A_67 = arith.select %and3A_64, %sub3A_66, %div3A_45 : i32
    %rem3A_68 = arith.constant 128 : i32
    %rem3A_69 = arith.remsi %add3A_43, %rem3A_68 : i32
    %dma_wait3A = arith.constant 0 : i32
    %dma_wait3A_70 = arith.constant 0 : i32
    %dma_wait3A_71 = arith.constant 0 : i32
    %dma_wait3A_72 = arith.constant 0 : i32
    %dma_wait3A_73 = tpu.memref_slice %arg5[%dma_wait3A, %dma_wait3A_71, %dma_wait3A_72] : memref<2x8x128xi32, #tpu.memory_space<vmem>> -> memref<1x8x128xi32, #tpu.memory_space<vmem>>
    %dma_wait3A_74 = tpu.memref_squeeze %dma_wait3A_73 : memref<1x8x128xi32, #tpu.memory_space<vmem>> -> memref<8x128xi32, #tpu.memory_space<vmem>>
    %dma_wait3A_75 = arith.constant 0 : i32
    %dma_wait3A_76 = arith.constant 0 : i32
    %dma_wait3A_77 = tpu.memref_slice %arg2[%select_n3A_67, %rem3A_69, %dma_wait3A_75, %dma_wait3A_76] : memref<25x128x8x128xi32, #tpu.memory_space<hbm>> -> memref<1x1x8x128xi32, #tpu.memory_space<hbm>>
    %dma_wait3A_78 = tpu.memref_squeeze %dma_wait3A_77 : memref<1x1x8x128xi32, #tpu.memory_space<hbm>> -> memref<8x128xi32, #tpu.memory_space<hbm>>
    %dma_wait3A_79 = tpu.memref_slice %arg8[%dma_wait3A_70] : memref<2x!tpu.dma_semaphore, #tpu.memory_space<semaphore_mem>> -> memref<1x!tpu.dma_semaphore, #tpu.memory_space<semaphore_mem>>
    %dma_wait3A_80 = tpu.memref_squeeze %dma_wait3A_79 : memref<1x!tpu.dma_semaphore, #tpu.memory_space<semaphore_mem>> -> memref<!tpu.dma_semaphore, #tpu.memory_space<semaphore_mem>>
    %dma_wait3A_81 = arith.constant 0 : i32
    %dma_wait3A_82 = arith.constant 0 : i32
    %dma_wait3A_83 = tpu.memref_slice %arg5[%dma_wait3A, %dma_wait3A_81, %dma_wait3A_82] : memref<2x8x128xi32, #tpu.memory_space<vmem>> -> memref<1x8x128xi32, #tpu.memory_space<vmem>>
    %dma_wait3A_84 = tpu.memref_squeeze %dma_wait3A_83 : memref<1x8x128xi32, #tpu.memory_space<vmem>> -> memref<8x128xi32, #tpu.memory_space<vmem>>
    %dma_wait3A_85 = arith.constant 0 : i32
    %dma_wait3A_86 = arith.constant 0 : i32
    %dma_wait3A_87 = tpu.memref_slice %arg2[%select_n3A_67, %rem3A_69, %dma_wait3A_85, %dma_wait3A_86] : memref<25x128x8x128xi32, #tpu.memory_space<hbm>> -> memref<1x1x8x128xi32, #tpu.memory_space<hbm>>
    %dma_wait3A_88 = tpu.memref_squeeze %dma_wait3A_87 : memref<1x1x8x128xi32, #tpu.memory_space<hbm>> -> memref<8x128xi32, #tpu.memory_space<hbm>>
    tpu.wait_dma2 semaphore(%dma_wait3A_80 : memref<!tpu.dma_semaphore, #tpu.memory_space<semaphore_mem>>) src(%dma_wait3A_88 : memref<8x128xi32, #tpu.memory_space<hbm>>) dst(%dma_wait3A_84 : memref<8x128xi32, #tpu.memory_space<vmem>>)
    %dma_start3A_89 = arith.constant 0 : i32
    %dma_start3A_90 = arith.constant 0 : i32
    %dma_start3A_91 = arith.constant 0 : i32
    %dma_start3A_92 = arith.constant 0 : i32
    %dma_start3A_93 = arith.constant 0 : i32
    %dma_start3A_94 = arith.constant 0 : i32
    %dma_start3A_95 = arith.constant 0 : i32
    %dma_start3A_96 = tpu.memref_slice %arg6[%dma_start3A_91, %dma_start3A_92, %dma_start3A_94, %dma_start3A_95] : memref<2x8x128x32xf32, #tpu.memory_space<vmem>> -> memref<1x1x128x32xf32, #tpu.memory_space<vmem>>
    %dma_start3A_97 = tpu.memref_squeeze %dma_start3A_96 : memref<1x1x128x32xf32, #tpu.memory_space<vmem>> -> memref<128x32xf32, #tpu.memory_space<vmem>>
    %dma_start3A_98 = arith.constant 0 : i32
    %dma_start3A_99 = tpu.memref_slice %arg5[%dma_start3A_89, %dma_start3A_90, %dma_start3A_98] : memref<2x8x128xi32, #tpu.memory_space<vmem>> -> memref<1x1x128xi32, #tpu.memory_space<vmem>>
    %dma_start3A_100 = tpu.memref_squeeze %dma_start3A_99 : memref<1x1x128xi32, #tpu.memory_space<vmem>> -> memref<128xi32, #tpu.memory_space<vmem>>
    %dma_start3A_101 = arith.constant 0 : i32
    %dma_start3A_102 = arith.constant 0 : i32
    %dma_start3A_103 = tpu.memref_slice %arg3[%dma_start3A_101, %dma_start3A_102] : memref<134513x32xf32, #tpu.memory_space<hbm>> -> memref<134513x32xf32, #tpu.memory_space<hbm>>
    %dma_start3A_104 = tpu.memref_slice %arg9[%dma_start3A_93] : memref<2x!tpu.dma_semaphore, #tpu.memory_space<semaphore_mem>> -> memref<1x!tpu.dma_semaphore, #tpu.memory_space<semaphore_mem>>
    %dma_start3A_105 = tpu.memref_squeeze %dma_start3A_104 : memref<1x!tpu.dma_semaphore, #tpu.memory_space<semaphore_mem>> -> memref<!tpu.dma_semaphore, #tpu.memory_space<semaphore_mem>>
    tpu.enqueue_indirect_dma source(%dma_start3A_103 : memref<134513x32xf32, #tpu.memory_space<hbm>>) target(%dma_start3A_97 : memref<128x32xf32, #tpu.memory_space<vmem>>) offsets(%dma_start3A_100 : memref<128xi32, #tpu.memory_space<vmem>>) semaphore(%dma_start3A_105 : memref<!tpu.dma_semaphore, #tpu.memory_space<semaphore_mem>>)
    %dma_start3A_106 = arith.constant 0 : i32
    %dma_start3A_107 = arith.constant 1 : i32
    %dma_start3A_108 = arith.constant 0 : i32
    %dma_start3A_109 = arith.constant 1 : i32
    %dma_start3A_110 = arith.constant 0 : i32
    %dma_start3A_111 = arith.constant 0 : i32
    %dma_start3A_112 = arith.constant 0 : i32
    %dma_start3A_113 = tpu.memref_slice %arg6[%dma_start3A_108, %dma_start3A_109, %dma_start3A_111, %dma_start3A_112] : memref<2x8x128x32xf32, #tpu.memory_space<vmem>> -> memref<1x1x128x32xf32, #tpu.memory_space<vmem>>
    %dma_start3A_114 = tpu.memref_squeeze %dma_start3A_113 : memref<1x1x128x32xf32, #tpu.memory_space<vmem>> -> memref<128x32xf32, #tpu.memory_space<vmem>>
    %dma_start3A_115 = arith.constant 0 : i32
    %dma_start3A_116 = tpu.memref_slice %arg5[%dma_start3A_106, %dma_start3A_107, %dma_start3A_115] : memref<2x8x128xi32, #tpu.memory_space<vmem>> -> memref<1x1x128xi32, #tpu.memory_space<vmem>>
    %dma_start3A_117 = tpu.memref_squeeze %dma_start3A_116 : memref<1x1x128xi32, #tpu.memory_space<vmem>> -> memref<128xi32, #tpu.memory_space<vmem>>
    %dma_start3A_118 = arith.constant 0 : i32
    %dma_start3A_119 = arith.constant 0 : i32
    %dma_start3A_120 = tpu.memref_slice %arg3[%dma_start3A_118, %dma_start3A_119] : memref<134513x32xf32, #tpu.memory_space<hbm>> -> memref<134513x32xf32, #tpu.memory_space<hbm>>
    %dma_start3A_121 = tpu.memref_slice %arg9[%dma_start3A_110] : memref<2x!tpu.dma_semaphore, #tpu.memory_space<semaphore_mem>> -> memref<1x!tpu.dma_semaphore, #tpu.memory_space<semaphore_mem>>
    %dma_start3A_122 = tpu.memref_squeeze %dma_start3A_121 : memref<1x!tpu.dma_semaphore, #tpu.memory_space<semaphore_mem>> -> memref<!tpu.dma_semaphore, #tpu.memory_space<semaphore_mem>>
    tpu.enqueue_indirect_dma source(%dma_start3A_120 : memref<134513x32xf32, #tpu.memory_space<hbm>>) target(%dma_start3A_114 : memref<128x32xf32, #tpu.memory_space<vmem>>) offsets(%dma_start3A_117 : memref<128xi32, #tpu.memory_space<vmem>>) semaphore(%dma_start3A_122 : memref<!tpu.dma_semaphore, #tpu.memory_space<semaphore_mem>>)
    %dma_start3A_123 = arith.constant 0 : i32
    %dma_start3A_124 = arith.constant 2 : i32
    %dma_start3A_125 = arith.constant 0 : i32
    %dma_start3A_126 = arith.constant 2 : i32
    %dma_start3A_127 = arith.constant 0 : i32
    %dma_start3A_128 = arith.constant 0 : i32
    %dma_start3A_129 = arith.constant 0 : i32
    %dma_start3A_130 = tpu.memref_slice %arg6[%dma_start3A_125, %dma_start3A_126, %dma_start3A_128, %dma_start3A_129] : memref<2x8x128x32xf32, #tpu.memory_space<vmem>> -> memref<1x1x128x32xf32, #tpu.memory_space<vmem>>
    %dma_start3A_131 = tpu.memref_squeeze %dma_start3A_130 : memref<1x1x128x32xf32, #tpu.memory_space<vmem>> -> memref<128x32xf32, #tpu.memory_space<vmem>>
    %dma_start3A_132 = arith.constant 0 : i32
    %dma_start3A_133 = tpu.memref_slice %arg5[%dma_start3A_123, %dma_start3A_124, %dma_start3A_132] : memref<2x8x128xi32, #tpu.memory_space<vmem>> -> memref<1x1x128xi32, #tpu.memory_space<vmem>>
    %dma_start3A_134 = tpu.memref_squeeze %dma_start3A_133 : memref<1x1x128xi32, #tpu.memory_space<vmem>> -> memref<128xi32, #tpu.memory_space<vmem>>
    %dma_start3A_135 = arith.constant 0 : i32
    %dma_start3A_136 = arith.constant 0 : i32
    %dma_start3A_137 = tpu.memref_slice %arg3[%dma_start3A_135, %dma_start3A_136] : memref<134513x32xf32, #tpu.memory_space<hbm>> -> memref<134513x32xf32, #tpu.memory_space<hbm>>
    %dma_start3A_138 = tpu.memref_slice %arg9[%dma_start3A_127] : memref<2x!tpu.dma_semaphore, #tpu.memory_space<semaphore_mem>> -> memref<1x!tpu.dma_semaphore, #tpu.memory_space<semaphore_mem>>
    %dma_start3A_139 = tpu.memref_squeeze %dma_start3A_138 : memref<1x!tpu.dma_semaphore, #tpu.memory_space<semaphore_mem>> -> memref<!tpu.dma_semaphore, #tpu.memory_space<semaphore_mem>>
    tpu.enqueue_indirect_dma source(%dma_start3A_137 : memref<134513x32xf32, #tpu.memory_space<hbm>>) target(%dma_start3A_131 : memref<128x32xf32, #tpu.memory_space<vmem>>) offsets(%dma_start3A_134 : memref<128xi32, #tpu.memory_space<vmem>>) semaphore(%dma_start3A_139 : memref<!tpu.dma_semaphore, #tpu.memory_space<semaphore_mem>>)
    %dma_start3A_140 = arith.constant 0 : i32
    %dma_start3A_141 = arith.constant 3 : i32
    %dma_start3A_142 = arith.constant 0 : i32
    %dma_start3A_143 = arith.constant 3 : i32
    %dma_start3A_144 = arith.constant 0 : i32
    %dma_start3A_145 = arith.constant 0 : i32
    %dma_start3A_146 = arith.constant 0 : i32
    %dma_start3A_147 = tpu.memref_slice %arg6[%dma_start3A_142, %dma_start3A_143, %dma_start3A_145, %dma_start3A_146] : memref<2x8x128x32xf32, #tpu.memory_space<vmem>> -> memref<1x1x128x32xf32, #tpu.memory_space<vmem>>
    %dma_start3A_148 = tpu.memref_squeeze %dma_start3A_147 : memref<1x1x128x32xf32, #tpu.memory_space<vmem>> -> memref<128x32xf32, #tpu.memory_space<vmem>>
    %dma_start3A_149 = arith.constant 0 : i32
    %dma_start3A_150 = tpu.memref_slice %arg5[%dma_start3A_140, %dma_start3A_141, %dma_start3A_149] : memref<2x8x128xi32, #tpu.memory_space<vmem>> -> memref<1x1x128xi32, #tpu.memory_space<vmem>>
    %dma_start3A_151 = tpu.memref_squeeze %dma_start3A_150 : memref<1x1x128xi32, #tpu.memory_space<vmem>> -> memref<128xi32, #tpu.memory_space<vmem>>
    %dma_start3A_152 = arith.constant 0 : i32
    %dma_start3A_153 = arith.constant 0 : i32
    %dma_start3A_154 = tpu.memref_slice %arg3[%dma_start3A_152, %dma_start3A_153] : memref<134513x32xf32, #tpu.memory_space<hbm>> -> memref<134513x32xf32, #tpu.memory_space<hbm>>
    %dma_start3A_155 = tpu.memref_slice %arg9[%dma_start3A_144] : memref<2x!tpu.dma_semaphore, #tpu.memory_space<semaphore_mem>> -> memref<1x!tpu.dma_semaphore, #tpu.memory_space<semaphore_mem>>
    %dma_start3A_156 = tpu.memref_squeeze %dma_start3A_155 : memref<1x!tpu.dma_semaphore, #tpu.memory_space<semaphore_mem>> -> memref<!tpu.dma_semaphore, #tpu.memory_space<semaphore_mem>>
    tpu.enqueue_indirect_dma source(%dma_start3A_154 : memref<134513x32xf32, #tpu.memory_space<hbm>>) target(%dma_start3A_148 : memref<128x32xf32, #tpu.memory_space<vmem>>) offsets(%dma_start3A_151 : memref<128xi32, #tpu.memory_space<vmem>>) semaphore(%dma_start3A_156 : memref<!tpu.dma_semaphore, #tpu.memory_space<semaphore_mem>>)
    %dma_start3A_157 = arith.constant 0 : i32
    %dma_start3A_158 = arith.constant 4 : i32
    %dma_start3A_159 = arith.constant 0 : i32
    %dma_start3A_160 = arith.constant 4 : i32
    %dma_start3A_161 = arith.constant 0 : i32
    %dma_start3A_162 = arith.constant 0 : i32
    %dma_start3A_163 = arith.constant 0 : i32
    %dma_start3A_164 = tpu.memref_slice %arg6[%dma_start3A_159, %dma_start3A_160, %dma_start3A_162, %dma_start3A_163] : memref<2x8x128x32xf32, #tpu.memory_space<vmem>> -> memref<1x1x128x32xf32, #tpu.memory_space<vmem>>
    %dma_start3A_165 = tpu.memref_squeeze %dma_start3A_164 : memref<1x1x128x32xf32, #tpu.memory_space<vmem>> -> memref<128x32xf32, #tpu.memory_space<vmem>>
    %dma_start3A_166 = arith.constant 0 : i32
    %dma_start3A_167 = tpu.memref_slice %arg5[%dma_start3A_157, %dma_start3A_158, %dma_start3A_166] : memref<2x8x128xi32, #tpu.memory_space<vmem>> -> memref<1x1x128xi32, #tpu.memory_space<vmem>>
    %dma_start3A_168 = tpu.memref_squeeze %dma_start3A_167 : memref<1x1x128xi32, #tpu.memory_space<vmem>> -> memref<128xi32, #tpu.memory_space<vmem>>
    %dma_start3A_169 = arith.constant 0 : i32
    %dma_start3A_170 = arith.constant 0 : i32
    %dma_start3A_171 = tpu.memref_slice %arg3[%dma_start3A_169, %dma_start3A_170] : memref<134513x32xf32, #tpu.memory_space<hbm>> -> memref<134513x32xf32, #tpu.memory_space<hbm>>
    %dma_start3A_172 = tpu.memref_slice %arg9[%dma_start3A_161] : memref<2x!tpu.dma_semaphore, #tpu.memory_space<semaphore_mem>> -> memref<1x!tpu.dma_semaphore, #tpu.memory_space<semaphore_mem>>
    %dma_start3A_173 = tpu.memref_squeeze %dma_start3A_172 : memref<1x!tpu.dma_semaphore, #tpu.memory_space<semaphore_mem>> -> memref<!tpu.dma_semaphore, #tpu.memory_space<semaphore_mem>>
    tpu.enqueue_indirect_dma source(%dma_start3A_171 : memref<134513x32xf32, #tpu.memory_space<hbm>>) target(%dma_start3A_165 : memref<128x32xf32, #tpu.memory_space<vmem>>) offsets(%dma_start3A_168 : memref<128xi32, #tpu.memory_space<vmem>>) semaphore(%dma_start3A_173 : memref<!tpu.dma_semaphore, #tpu.memory_space<semaphore_mem>>)
    %dma_start3A_174 = arith.constant 0 : i32
    %dma_start3A_175 = arith.constant 5 : i32
    %dma_start3A_176 = arith.constant 0 : i32
    %dma_start3A_177 = arith.constant 5 : i32
    %dma_start3A_178 = arith.constant 0 : i32
    %dma_start3A_179 = arith.constant 0 : i32
    %dma_start3A_180 = arith.constant 0 : i32
    %dma_start3A_181 = tpu.memref_slice %arg6[%dma_start3A_176, %dma_start3A_177, %dma_start3A_179, %dma_start3A_180] : memref<2x8x128x32xf32, #tpu.memory_space<vmem>> -> memref<1x1x128x32xf32, #tpu.memory_space<vmem>>
    %dma_start3A_182 = tpu.memref_squeeze %dma_start3A_181 : memref<1x1x128x32xf32, #tpu.memory_space<vmem>> -> memref<128x32xf32, #tpu.memory_space<vmem>>
    %dma_start3A_183 = arith.constant 0 : i32
    %dma_start3A_184 = tpu.memref_slice %arg5[%dma_start3A_174, %dma_start3A_175, %dma_start3A_183] : memref<2x8x128xi32, #tpu.memory_space<vmem>> -> memref<1x1x128xi32, #tpu.memory_space<vmem>>
    %dma_start3A_185 = tpu.memref_squeeze %dma_start3A_184 : memref<1x1x128xi32, #tpu.memory_space<vmem>> -> memref<128xi32, #tpu.memory_space<vmem>>
    %dma_start3A_186 = arith.constant 0 : i32
    %dma_start3A_187 = arith.constant 0 : i32
    %dma_start3A_188 = tpu.memref_slice %arg3[%dma_start3A_186, %dma_start3A_187] : memref<134513x32xf32, #tpu.memory_space<hbm>> -> memref<134513x32xf32, #tpu.memory_space<hbm>>
    %dma_start3A_189 = tpu.memref_slice %arg9[%dma_start3A_178] : memref<2x!tpu.dma_semaphore, #tpu.memory_space<semaphore_mem>> -> memref<1x!tpu.dma_semaphore, #tpu.memory_space<semaphore_mem>>
    %dma_start3A_190 = tpu.memref_squeeze %dma_start3A_189 : memref<1x!tpu.dma_semaphore, #tpu.memory_space<semaphore_mem>> -> memref<!tpu.dma_semaphore, #tpu.memory_space<semaphore_mem>>
    tpu.enqueue_indirect_dma source(%dma_start3A_188 : memref<134513x32xf32, #tpu.memory_space<hbm>>) target(%dma_start3A_182 : memref<128x32xf32, #tpu.memory_space<vmem>>) offsets(%dma_start3A_185 : memref<128xi32, #tpu.memory_space<vmem>>) semaphore(%dma_start3A_190 : memref<!tpu.dma_semaphore, #tpu.memory_space<semaphore_mem>>)
    %dma_start3A_191 = arith.constant 0 : i32
    %dma_start3A_192 = arith.constant 6 : i32
    %dma_start3A_193 = arith.constant 0 : i32
    %dma_start3A_194 = arith.constant 6 : i32
    %dma_start3A_195 = arith.constant 0 : i32
    %dma_start3A_196 = arith.constant 0 : i32
    %dma_start3A_197 = arith.constant 0 : i32
    %dma_start3A_198 = tpu.memref_slice %arg6[%dma_start3A_193, %dma_start3A_194, %dma_start3A_196, %dma_start3A_197] : memref<2x8x128x32xf32, #tpu.memory_space<vmem>> -> memref<1x1x128x32xf32, #tpu.memory_space<vmem>>
    %dma_start3A_199 = tpu.memref_squeeze %dma_start3A_198 : memref<1x1x128x32xf32, #tpu.memory_space<vmem>> -> memref<128x32xf32, #tpu.memory_space<vmem>>
    %dma_start3A_200 = arith.constant 0 : i32
    %dma_start3A_201 = tpu.memref_slice %arg5[%dma_start3A_191, %dma_start3A_192, %dma_start3A_200] : memref<2x8x128xi32, #tpu.memory_space<vmem>> -> memref<1x1x128xi32, #tpu.memory_space<vmem>>
    %dma_start3A_202 = tpu.memref_squeeze %dma_start3A_201 : memref<1x1x128xi32, #tpu.memory_space<vmem>> -> memref<128xi32, #tpu.memory_space<vmem>>
    %dma_start3A_203 = arith.constant 0 : i32
    %dma_start3A_204 = arith.constant 0 : i32
    %dma_start3A_205 = tpu.memref_slice %arg3[%dma_start3A_203, %dma_start3A_204] : memref<134513x32xf32, #tpu.memory_space<hbm>> -> memref<134513x32xf32, #tpu.memory_space<hbm>>
    %dma_start3A_206 = tpu.memref_slice %arg9[%dma_start3A_195] : memref<2x!tpu.dma_semaphore, #tpu.memory_space<semaphore_mem>> -> memref<1x!tpu.dma_semaphore, #tpu.memory_space<semaphore_mem>>
    %dma_start3A_207 = tpu.memref_squeeze %dma_start3A_206 : memref<1x!tpu.dma_semaphore, #tpu.memory_space<semaphore_mem>> -> memref<!tpu.dma_semaphore, #tpu.memory_space<semaphore_mem>>
    tpu.enqueue_indirect_dma source(%dma_start3A_205 : memref<134513x32xf32, #tpu.memory_space<hbm>>) target(%dma_start3A_199 : memref<128x32xf32, #tpu.memory_space<vmem>>) offsets(%dma_start3A_202 : memref<128xi32, #tpu.memory_space<vmem>>) semaphore(%dma_start3A_207 : memref<!tpu.dma_semaphore, #tpu.memory_space<semaphore_mem>>)
    %dma_start3A_208 = arith.constant 0 : i32
    %dma_start3A_209 = arith.constant 7 : i32
    %dma_start3A_210 = arith.constant 0 : i32
    %dma_start3A_211 = arith.constant 7 : i32
    %dma_start3A_212 = arith.constant 0 : i32
    %dma_start3A_213 = arith.constant 0 : i32
    %dma_start3A_214 = arith.constant 0 : i32
    %dma_start3A_215 = tpu.memref_slice %arg6[%dma_start3A_210, %dma_start3A_211, %dma_start3A_213, %dma_start3A_214] : memref<2x8x128x32xf32, #tpu.memory_space<vmem>> -> memref<1x1x128x32xf32, #tpu.memory_space<vmem>>
    %dma_start3A_216 = tpu.memref_squeeze %dma_start3A_215 : memref<1x1x128x32xf32, #tpu.memory_space<vmem>> -> memref<128x32xf32, #tpu.memory_space<vmem>>
    %dma_start3A_217 = arith.constant 0 : i32
    %dma_start3A_218 = tpu.memref_slice %arg5[%dma_start3A_208, %dma_start3A_209, %dma_start3A_217] : memref<2x8x128xi32, #tpu.memory_space<vmem>> -> memref<1x1x128xi32, #tpu.memory_space<vmem>>
    %dma_start3A_219 = tpu.memref_squeeze %dma_start3A_218 : memref<1x1x128xi32, #tpu.memory_space<vmem>> -> memref<128xi32, #tpu.memory_space<vmem>>
    %dma_start3A_220 = arith.constant 0 : i32
    %dma_start3A_221 = arith.constant 0 : i32
    %dma_start3A_222 = tpu.memref_slice %arg3[%dma_start3A_220, %dma_start3A_221] : memref<134513x32xf32, #tpu.memory_space<hbm>> -> memref<134513x32xf32, #tpu.memory_space<hbm>>
    %dma_start3A_223 = tpu.memref_slice %arg9[%dma_start3A_212] : memref<2x!tpu.dma_semaphore, #tpu.memory_space<semaphore_mem>> -> memref<1x!tpu.dma_semaphore, #tpu.memory_space<semaphore_mem>>
    %dma_start3A_224 = tpu.memref_squeeze %dma_start3A_223 : memref<1x!tpu.dma_semaphore, #tpu.memory_space<semaphore_mem>> -> memref<!tpu.dma_semaphore, #tpu.memory_space<semaphore_mem>>
    tpu.enqueue_indirect_dma source(%dma_start3A_222 : memref<134513x32xf32, #tpu.memory_space<hbm>>) target(%dma_start3A_216 : memref<128x32xf32, #tpu.memory_space<vmem>>) offsets(%dma_start3A_219 : memref<128xi32, #tpu.memory_space<vmem>>) semaphore(%dma_start3A_224 : memref<!tpu.dma_semaphore, #tpu.memory_space<semaphore_mem>>)
    %add3A_225 = arith.constant 1 : i32
    %add3A_226 = arith.addi %mul3A_2, %add3A_225 : i32
    %jit3A_227 = arith.constant 128 : i32
    %div3A_228 = arith.divsi %add3A_226, %jit3A_227 : i32
    %sign3A_229 = arith.constant 0 : i32
    %sign3A_230 = arith.cmpi sgt, %add3A_226, %sign3A_229 : i32
    %sign3A_231 = arith.extui %sign3A_230 : i1 to i32
    %sign3A_232 = arith.constant 0 : i32
    %sign3A_233 = arith.cmpi slt, %add3A_226, %sign3A_232 : i32
    %sign3A_234 = arith.extui %sign3A_233 : i1 to i32
    %sign3A_235 = arith.subi %sign3A_231, %sign3A_234 : i32
    %sign3A_236 = arith.constant 0 : i32
    %sign3A_237 = arith.cmpi sgt, %jit3A_227, %sign3A_236 : i32
    %sign3A_238 = arith.extui %sign3A_237 : i1 to i32
    %sign3A_239 = arith.constant 0 : i32
    %sign3A_240 = arith.cmpi slt, %jit3A_227, %sign3A_239 : i32
    %sign3A_241 = arith.extui %sign3A_240 : i1 to i32
    %sign3A_242 = arith.subi %sign3A_238, %sign3A_241 : i32
    %ne3A_243 = arith.cmpi ne, %sign3A_235, %sign3A_242 : i32
    %rem3A_244 = arith.remsi %add3A_226, %jit3A_227 : i32
    %ne3A_245 = arith.constant 0 : i32
    %ne3A_246 = arith.cmpi ne, %rem3A_244, %ne3A_245 : i32
    %and3A_247 = arith.andi %ne3A_243, %ne3A_246 : i1
    %sub3A_248 = arith.constant 1 : i32
    %sub3A_249 = arith.subi %div3A_228, %sub3A_248 : i32
    %select_n3A_250 = arith.select %and3A_247, %sub3A_249, %div3A_228 : i32
    %rem3A_251 = arith.constant 128 : i32
    %rem3A_252 = arith.remsi %add3A_226, %rem3A_251 : i32
    %dma_start3A_253 = arith.constant 1 : i32
    %dma_start3A_254 = arith.constant 1 : i32
    %dma_start3A_255 = arith.constant 0 : i32
    %dma_start3A_256 = arith.constant 0 : i32
    %dma_start3A_257 = tpu.memref_slice %arg5[%dma_start3A_253, %dma_start3A_255, %dma_start3A_256] : memref<2x8x128xi32, #tpu.memory_space<vmem>> -> memref<1x8x128xi32, #tpu.memory_space<vmem>>
    %dma_start3A_258 = tpu.memref_squeeze %dma_start3A_257 : memref<1x8x128xi32, #tpu.memory_space<vmem>> -> memref<8x128xi32, #tpu.memory_space<vmem>>
    %dma_start3A_259 = arith.constant 0 : i32
    %dma_start3A_260 = arith.constant 0 : i32
    %dma_start3A_261 = tpu.memref_slice %arg2[%select_n3A_250, %rem3A_252, %dma_start3A_259, %dma_start3A_260] : memref<25x128x8x128xi32, #tpu.memory_space<hbm>> -> memref<1x1x8x128xi32, #tpu.memory_space<hbm>>
    %dma_start3A_262 = tpu.memref_squeeze %dma_start3A_261 : memref<1x1x8x128xi32, #tpu.memory_space<hbm>> -> memref<8x128xi32, #tpu.memory_space<hbm>>
    %dma_start3A_263 = tpu.memref_slice %arg8[%dma_start3A_254] : memref<2x!tpu.dma_semaphore, #tpu.memory_space<semaphore_mem>> -> memref<1x!tpu.dma_semaphore, #tpu.memory_space<semaphore_mem>>
    %dma_start3A_264 = tpu.memref_squeeze %dma_start3A_263 : memref<1x!tpu.dma_semaphore, #tpu.memory_space<semaphore_mem>> -> memref<!tpu.dma_semaphore, #tpu.memory_space<semaphore_mem>>
    %dma_start3A_265 = arith.constant 0 : i32
    %dma_start3A_266 = arith.constant 0 : i32
    %dma_start3A_267 = tpu.memref_slice %arg5[%dma_start3A_253, %dma_start3A_265, %dma_start3A_266] : memref<2x8x128xi32, #tpu.memory_space<vmem>> -> memref<1x8x128xi32, #tpu.memory_space<vmem>>
    %dma_start3A_268 = tpu.memref_squeeze %dma_start3A_267 : memref<1x8x128xi32, #tpu.memory_space<vmem>> -> memref<8x128xi32, #tpu.memory_space<vmem>>
    %dma_start3A_269 = arith.constant 0 : i32
    %dma_start3A_270 = arith.constant 0 : i32
    %dma_start3A_271 = tpu.memref_slice %arg2[%select_n3A_250, %rem3A_252, %dma_start3A_269, %dma_start3A_270] : memref<25x128x8x128xi32, #tpu.memory_space<hbm>> -> memref<1x1x8x128xi32, #tpu.memory_space<hbm>>
    %dma_start3A_272 = tpu.memref_squeeze %dma_start3A_271 : memref<1x1x8x128xi32, #tpu.memory_space<hbm>> -> memref<8x128xi32, #tpu.memory_space<hbm>>
    tpu.enqueue_dma source(%dma_start3A_272 : memref<8x128xi32, #tpu.memory_space<hbm>>) target(%dma_start3A_268 : memref<8x128xi32, #tpu.memory_space<vmem>>) target_semaphore(%dma_start3A_264 : memref<!tpu.dma_semaphore, #tpu.memory_space<semaphore_mem>>)
    %scan3A = arith.constant 0 : i32
    %scan3A_273 = arith.constant 0 : i32
    %scan3A_274 = arith.constant 100 : i32
    %scan3A_275 = arith.addi %scan3A_273, %scan3A_274 : i32
    %scan3A_276 = arith.constant 1 : i32
    %scan3A_277 = scf.for %scan3A_383 = %scan3A_273 to %scan3A_275 step %scan3A_276 iter_args(%scan3A_384 = %scan3A) -> (i32)  : i32 {
      %rem3A_385 = arith.constant 2 : i32
      %rem3A_386 = arith.remsi %scan3A_383, %rem3A_385 : i32
      %add3A_387 = arith.constant 1 : i32
      %add3A_388 = arith.addi %scan3A_383, %add3A_387 : i32
      %rem3A_389 = arith.constant 2 : i32
      %rem3A_390 = arith.remsi %add3A_388, %rem3A_389 : i32
      %add3A_391 = arith.constant 1 : i32
      %add3A_392 = arith.addi %scan3A_383, %add3A_391 : i32
      %lt3A = arith.constant 100 : i32
      %lt3A_393 = arith.cmpi slt, %add3A_392, %lt3A : i32
      %convert_element_type3A = arith.extui %lt3A_393 : i1 to i32
      %cond3A = arith.constant 0 : i32
      %cond3A_394 = arith.cmpi ne, %convert_element_type3A, %cond3A : i32
      scf.if %cond3A_394 {
        %add3A_624 = arith.constant 1 : i32
        %add3A_625 = arith.addi %scan3A_383, %add3A_624 : i32
        %add3A_626 = arith.addi %mul3A_2, %add3A_625 : i32
        %jit3A_627 = arith.constant 128 : i32
        %div3A_628 = arith.divsi %add3A_626, %jit3A_627 : i32
        %sign3A_629 = arith.constant 0 : i32
        %sign3A_630 = arith.cmpi sgt, %add3A_626, %sign3A_629 : i32
        %sign3A_631 = arith.extui %sign3A_630 : i1 to i32
        %sign3A_632 = arith.constant 0 : i32
        %sign3A_633 = arith.cmpi slt, %add3A_626, %sign3A_632 : i32
        %sign3A_634 = arith.extui %sign3A_633 : i1 to i32
        %sign3A_635 = arith.subi %sign3A_631, %sign3A_634 : i32
        %sign3A_636 = arith.constant 0 : i32
        %sign3A_637 = arith.cmpi sgt, %jit3A_627, %sign3A_636 : i32
        %sign3A_638 = arith.extui %sign3A_637 : i1 to i32
        %sign3A_639 = arith.constant 0 : i32
        %sign3A_640 = arith.cmpi slt, %jit3A_627, %sign3A_639 : i32
        %sign3A_641 = arith.extui %sign3A_640 : i1 to i32
        %sign3A_642 = arith.subi %sign3A_638, %sign3A_641 : i32
        %ne3A_643 = arith.cmpi ne, %sign3A_635, %sign3A_642 : i32
        %rem3A_644 = arith.remsi %add3A_626, %jit3A_627 : i32
        %ne3A_645 = arith.constant 0 : i32
        %ne3A_646 = arith.cmpi ne, %rem3A_644, %ne3A_645 : i32
        %and3A_647 = arith.andi %ne3A_643, %ne3A_646 : i1
        %sub3A_648 = arith.constant 1 : i32
        %sub3A_649 = arith.subi %div3A_628, %sub3A_648 : i32
        %select_n3A_650 = arith.select %and3A_647, %sub3A_649, %div3A_628 : i32
        %rem3A_651 = arith.constant 128 : i32
        %rem3A_652 = arith.remsi %add3A_626, %rem3A_651 : i32
        %dma_wait3A_653 = arith.constant 0 : i32
        %dma_wait3A_654 = arith.constant 0 : i32
        %dma_wait3A_655 = tpu.memref_slice %arg5[%rem3A_390, %dma_wait3A_653, %dma_wait3A_654] : memref<2x8x128xi32, #tpu.memory_space<vmem>> -> memref<1x8x128xi32, #tpu.memory_space<vmem>>
        %dma_wait3A_656 = tpu.memref_squeeze %dma_wait3A_655 : memref<1x8x128xi32, #tpu.memory_space<vmem>> -> memref<8x128xi32, #tpu.memory_space<vmem>>
        %dma_wait3A_657 = arith.constant 0 : i32
        %dma_wait3A_658 = arith.constant 0 : i32
        %dma_wait3A_659 = tpu.memref_slice %arg2[%select_n3A_650, %rem3A_652, %dma_wait3A_657, %dma_wait3A_658] : memref<25x128x8x128xi32, #tpu.memory_space<hbm>> -> memref<1x1x8x128xi32, #tpu.memory_space<hbm>>
        %dma_wait3A_660 = tpu.memref_squeeze %dma_wait3A_659 : memref<1x1x8x128xi32, #tpu.memory_space<hbm>> -> memref<8x128xi32, #tpu.memory_space<hbm>>
        %dma_wait3A_661 = tpu.memref_slice %arg8[%rem3A_390] : memref<2x!tpu.dma_semaphore, #tpu.memory_space<semaphore_mem>> -> memref<1x!tpu.dma_semaphore, #tpu.memory_space<semaphore_mem>>
        %dma_wait3A_662 = tpu.memref_squeeze %dma_wait3A_661 : memref<1x!tpu.dma_semaphore, #tpu.memory_space<semaphore_mem>> -> memref<!tpu.dma_semaphore, #tpu.memory_space<semaphore_mem>>
        %dma_wait3A_663 = arith.constant 0 : i32
        %dma_wait3A_664 = arith.constant 0 : i32
        %dma_wait3A_665 = tpu.memref_slice %arg5[%rem3A_390, %dma_wait3A_663, %dma_wait3A_664] : memref<2x8x128xi32, #tpu.memory_space<vmem>> -> memref<1x8x128xi32, #tpu.memory_space<vmem>>
        %dma_wait3A_666 = tpu.memref_squeeze %dma_wait3A_665 : memref<1x8x128xi32, #tpu.memory_space<vmem>> -> memref<8x128xi32, #tpu.memory_space<vmem>>
        %dma_wait3A_667 = arith.constant 0 : i32
        %dma_wait3A_668 = arith.constant 0 : i32
        %dma_wait3A_669 = tpu.memref_slice %arg2[%select_n3A_650, %rem3A_652, %dma_wait3A_667, %dma_wait3A_668] : memref<25x128x8x128xi32, #tpu.memory_space<hbm>> -> memref<1x1x8x128xi32, #tpu.memory_space<hbm>>
        %dma_wait3A_670 = tpu.memref_squeeze %dma_wait3A_669 : memref<1x1x8x128xi32, #tpu.memory_space<hbm>> -> memref<8x128xi32, #tpu.memory_space<hbm>>
        tpu.wait_dma2 semaphore(%dma_wait3A_662 : memref<!tpu.dma_semaphore, #tpu.memory_space<semaphore_mem>>) src(%dma_wait3A_670 : memref<8x128xi32, #tpu.memory_space<hbm>>) dst(%dma_wait3A_666 : memref<8x128xi32, #tpu.memory_space<vmem>>)
        %add3A_671 = arith.constant 1 : i32
        %add3A_672 = arith.addi %scan3A_383, %add3A_671 : i32
        %dma_start3A_673 = arith.constant 0 : i32
        %dma_start3A_674 = arith.constant 0 : i32
        %dma_start3A_675 = arith.constant 0 : i32
        %dma_start3A_676 = arith.constant 0 : i32
        %dma_start3A_677 = tpu.memref_slice %arg6[%rem3A_390, %dma_start3A_674, %dma_start3A_675, %dma_start3A_676] : memref<2x8x128x32xf32, #tpu.memory_space<vmem>> -> memref<1x1x128x32xf32, #tpu.memory_space<vmem>>
        %dma_start3A_678 = tpu.memref_squeeze %dma_start3A_677 : memref<1x1x128x32xf32, #tpu.memory_space<vmem>> -> memref<128x32xf32, #tpu.memory_space<vmem>>
        %dma_start3A_679 = arith.constant 0 : i32
        %dma_start3A_680 = tpu.memref_slice %arg5[%rem3A_390, %dma_start3A_673, %dma_start3A_679] : memref<2x8x128xi32, #tpu.memory_space<vmem>> -> memref<1x1x128xi32, #tpu.memory_space<vmem>>
        %dma_start3A_681 = tpu.memref_squeeze %dma_start3A_680 : memref<1x1x128xi32, #tpu.memory_space<vmem>> -> memref<128xi32, #tpu.memory_space<vmem>>
        %dma_start3A_682 = arith.constant 0 : i32
        %dma_start3A_683 = arith.constant 0 : i32
        %dma_start3A_684 = tpu.memref_slice %arg3[%dma_start3A_682, %dma_start3A_683] : memref<134513x32xf32, #tpu.memory_space<hbm>> -> memref<134513x32xf32, #tpu.memory_space<hbm>>
        %dma_start3A_685 = tpu.memref_slice %arg9[%rem3A_390] : memref<2x!tpu.dma_semaphore, #tpu.memory_space<semaphore_mem>> -> memref<1x!tpu.dma_semaphore, #tpu.memory_space<semaphore_mem>>
        %dma_start3A_686 = tpu.memref_squeeze %dma_start3A_685 : memref<1x!tpu.dma_semaphore, #tpu.memory_space<semaphore_mem>> -> memref<!tpu.dma_semaphore, #tpu.memory_space<semaphore_mem>>
        tpu.enqueue_indirect_dma source(%dma_start3A_684 : memref<134513x32xf32, #tpu.memory_space<hbm>>) target(%dma_start3A_678 : memref<128x32xf32, #tpu.memory_space<vmem>>) offsets(%dma_start3A_681 : memref<128xi32, #tpu.memory_space<vmem>>) semaphore(%dma_start3A_686 : memref<!tpu.dma_semaphore, #tpu.memory_space<semaphore_mem>>)
        %dma_start3A_687 = arith.constant 1 : i32
        %dma_start3A_688 = arith.constant 1 : i32
        %dma_start3A_689 = arith.constant 0 : i32
        %dma_start3A_690 = arith.constant 0 : i32
        %dma_start3A_691 = tpu.memref_slice %arg6[%rem3A_390, %dma_start3A_688, %dma_start3A_689, %dma_start3A_690] : memref<2x8x128x32xf32, #tpu.memory_space<vmem>> -> memref<1x1x128x32xf32, #tpu.memory_space<vmem>>
        %dma_start3A_692 = tpu.memref_squeeze %dma_start3A_691 : memref<1x1x128x32xf32, #tpu.memory_space<vmem>> -> memref<128x32xf32, #tpu.memory_space<vmem>>
        %dma_start3A_693 = arith.constant 0 : i32
        %dma_start3A_694 = tpu.memref_slice %arg5[%rem3A_390, %dma_start3A_687, %dma_start3A_693] : memref<2x8x128xi32, #tpu.memory_space<vmem>> -> memref<1x1x128xi32, #tpu.memory_space<vmem>>
        %dma_start3A_695 = tpu.memref_squeeze %dma_start3A_694 : memref<1x1x128xi32, #tpu.memory_space<vmem>> -> memref<128xi32, #tpu.memory_space<vmem>>
        %dma_start3A_696 = arith.constant 0 : i32
        %dma_start3A_697 = arith.constant 0 : i32
        %dma_start3A_698 = tpu.memref_slice %arg3[%dma_start3A_696, %dma_start3A_697] : memref<134513x32xf32, #tpu.memory_space<hbm>> -> memref<134513x32xf32, #tpu.memory_space<hbm>>
        %dma_start3A_699 = tpu.memref_slice %arg9[%rem3A_390] : memref<2x!tpu.dma_semaphore, #tpu.memory_space<semaphore_mem>> -> memref<1x!tpu.dma_semaphore, #tpu.memory_space<semaphore_mem>>
        %dma_start3A_700 = tpu.memref_squeeze %dma_start3A_699 : memref<1x!tpu.dma_semaphore, #tpu.memory_space<semaphore_mem>> -> memref<!tpu.dma_semaphore, #tpu.memory_space<semaphore_mem>>
        tpu.enqueue_indirect_dma source(%dma_start3A_698 : memref<134513x32xf32, #tpu.memory_space<hbm>>) target(%dma_start3A_692 : memref<128x32xf32, #tpu.memory_space<vmem>>) offsets(%dma_start3A_695 : memref<128xi32, #tpu.memory_space<vmem>>) semaphore(%dma_start3A_700 : memref<!tpu.dma_semaphore, #tpu.memory_space<semaphore_mem>>)
        %dma_start3A_701 = arith.constant 2 : i32
        %dma_start3A_702 = arith.constant 2 : i32
        %dma_start3A_703 = arith.constant 0 : i32
        %dma_start3A_704 = arith.constant 0 : i32
        %dma_start3A_705 = tpu.memref_slice %arg6[%rem3A_390, %dma_start3A_702, %dma_start3A_703, %dma_start3A_704] : memref<2x8x128x32xf32, #tpu.memory_space<vmem>> -> memref<1x1x128x32xf32, #tpu.memory_space<vmem>>
        %dma_start3A_706 = tpu.memref_squeeze %dma_start3A_705 : memref<1x1x128x32xf32, #tpu.memory_space<vmem>> -> memref<128x32xf32, #tpu.memory_space<vmem>>
        %dma_start3A_707 = arith.constant 0 : i32
        %dma_start3A_708 = tpu.memref_slice %arg5[%rem3A_390, %dma_start3A_701, %dma_start3A_707] : memref<2x8x128xi32, #tpu.memory_space<vmem>> -> memref<1x1x128xi32, #tpu.memory_space<vmem>>
        %dma_start3A_709 = tpu.memref_squeeze %dma_start3A_708 : memref<1x1x128xi32, #tpu.memory_space<vmem>> -> memref<128xi32, #tpu.memory_space<vmem>>
        %dma_start3A_710 = arith.constant 0 : i32
        %dma_start3A_711 = arith.constant 0 : i32
        %dma_start3A_712 = tpu.memref_slice %arg3[%dma_start3A_710, %dma_start3A_711] : memref<134513x32xf32, #tpu.memory_space<hbm>> -> memref<134513x32xf32, #tpu.memory_space<hbm>>
        %dma_start3A_713 = tpu.memref_slice %arg9[%rem3A_390] : memref<2x!tpu.dma_semaphore, #tpu.memory_space<semaphore_mem>> -> memref<1x!tpu.dma_semaphore, #tpu.memory_space<semaphore_mem>>
        %dma_start3A_714 = tpu.memref_squeeze %dma_start3A_713 : memref<1x!tpu.dma_semaphore, #tpu.memory_space<semaphore_mem>> -> memref<!tpu.dma_semaphore, #tpu.memory_space<semaphore_mem>>
        tpu.enqueue_indirect_dma source(%dma_start3A_712 : memref<134513x32xf32, #tpu.memory_space<hbm>>) target(%dma_start3A_706 : memref<128x32xf32, #tpu.memory_space<vmem>>) offsets(%dma_start3A_709 : memref<128xi32, #tpu.memory_space<vmem>>) semaphore(%dma_start3A_714 : memref<!tpu.dma_semaphore, #tpu.memory_space<semaphore_mem>>)
        %dma_start3A_715 = arith.constant 3 : i32
        %dma_start3A_716 = arith.constant 3 : i32
        %dma_start3A_717 = arith.constant 0 : i32
        %dma_start3A_718 = arith.constant 0 : i32
        %dma_start3A_719 = tpu.memref_slice %arg6[%rem3A_390, %dma_start3A_716, %dma_start3A_717, %dma_start3A_718] : memref<2x8x128x32xf32, #tpu.memory_space<vmem>> -> memref<1x1x128x32xf32, #tpu.memory_space<vmem>>
        %dma_start3A_720 = tpu.memref_squeeze %dma_start3A_719 : memref<1x1x128x32xf32, #tpu.memory_space<vmem>> -> memref<128x32xf32, #tpu.memory_space<vmem>>
        %dma_start3A_721 = arith.constant 0 : i32
        %dma_start3A_722 = tpu.memref_slice %arg5[%rem3A_390, %dma_start3A_715, %dma_start3A_721] : memref<2x8x128xi32, #tpu.memory_space<vmem>> -> memref<1x1x128xi32, #tpu.memory_space<vmem>>
        %dma_start3A_723 = tpu.memref_squeeze %dma_start3A_722 : memref<1x1x128xi32, #tpu.memory_space<vmem>> -> memref<128xi32, #tpu.memory_space<vmem>>
        %dma_start3A_724 = arith.constant 0 : i32
        %dma_start3A_725 = arith.constant 0 : i32
        %dma_start3A_726 = tpu.memref_slice %arg3[%dma_start3A_724, %dma_start3A_725] : memref<134513x32xf32, #tpu.memory_space<hbm>> -> memref<134513x32xf32, #tpu.memory_space<hbm>>
        %dma_start3A_727 = tpu.memref_slice %arg9[%rem3A_390] : memref<2x!tpu.dma_semaphore, #tpu.memory_space<semaphore_mem>> -> memref<1x!tpu.dma_semaphore, #tpu.memory_space<semaphore_mem>>
        %dma_start3A_728 = tpu.memref_squeeze %dma_start3A_727 : memref<1x!tpu.dma_semaphore, #tpu.memory_space<semaphore_mem>> -> memref<!tpu.dma_semaphore, #tpu.memory_space<semaphore_mem>>
        tpu.enqueue_indirect_dma source(%dma_start3A_726 : memref<134513x32xf32, #tpu.memory_space<hbm>>) target(%dma_start3A_720 : memref<128x32xf32, #tpu.memory_space<vmem>>) offsets(%dma_start3A_723 : memref<128xi32, #tpu.memory_space<vmem>>) semaphore(%dma_start3A_728 : memref<!tpu.dma_semaphore, #tpu.memory_space<semaphore_mem>>)
        %dma_start3A_729 = arith.constant 4 : i32
        %dma_start3A_730 = arith.constant 4 : i32
        %dma_start3A_731 = arith.constant 0 : i32
        %dma_start3A_732 = arith.constant 0 : i32
        %dma_start3A_733 = tpu.memref_slice %arg6[%rem3A_390, %dma_start3A_730, %dma_start3A_731, %dma_start3A_732] : memref<2x8x128x32xf32, #tpu.memory_space<vmem>> -> memref<1x1x128x32xf32, #tpu.memory_space<vmem>>
        %dma_start3A_734 = tpu.memref_squeeze %dma_start3A_733 : memref<1x1x128x32xf32, #tpu.memory_space<vmem>> -> memref<128x32xf32, #tpu.memory_space<vmem>>
        %dma_start3A_735 = arith.constant 0 : i32
        %dma_start3A_736 = tpu.memref_slice %arg5[%rem3A_390, %dma_start3A_729, %dma_start3A_735] : memref<2x8x128xi32, #tpu.memory_space<vmem>> -> memref<1x1x128xi32, #tpu.memory_space<vmem>>
        %dma_start3A_737 = tpu.memref_squeeze %dma_start3A_736 : memref<1x1x128xi32, #tpu.memory_space<vmem>> -> memref<128xi32, #tpu.memory_space<vmem>>
        %dma_start3A_738 = arith.constant 0 : i32
        %dma_start3A_739 = arith.constant 0 : i32
        %dma_start3A_740 = tpu.memref_slice %arg3[%dma_start3A_738, %dma_start3A_739] : memref<134513x32xf32, #tpu.memory_space<hbm>> -> memref<134513x32xf32, #tpu.memory_space<hbm>>
        %dma_start3A_741 = tpu.memref_slice %arg9[%rem3A_390] : memref<2x!tpu.dma_semaphore, #tpu.memory_space<semaphore_mem>> -> memref<1x!tpu.dma_semaphore, #tpu.memory_space<semaphore_mem>>
        %dma_start3A_742 = tpu.memref_squeeze %dma_start3A_741 : memref<1x!tpu.dma_semaphore, #tpu.memory_space<semaphore_mem>> -> memref<!tpu.dma_semaphore, #tpu.memory_space<semaphore_mem>>
        tpu.enqueue_indirect_dma source(%dma_start3A_740 : memref<134513x32xf32, #tpu.memory_space<hbm>>) target(%dma_start3A_734 : memref<128x32xf32, #tpu.memory_space<vmem>>) offsets(%dma_start3A_737 : memref<128xi32, #tpu.memory_space<vmem>>) semaphore(%dma_start3A_742 : memref<!tpu.dma_semaphore, #tpu.memory_space<semaphore_mem>>)
        %dma_start3A_743 = arith.constant 5 : i32
        %dma_start3A_744 = arith.constant 5 : i32
        %dma_start3A_745 = arith.constant 0 : i32
        %dma_start3A_746 = arith.constant 0 : i32
        %dma_start3A_747 = tpu.memref_slice %arg6[%rem3A_390, %dma_start3A_744, %dma_start3A_745, %dma_start3A_746] : memref<2x8x128x32xf32, #tpu.memory_space<vmem>> -> memref<1x1x128x32xf32, #tpu.memory_space<vmem>>
        %dma_start3A_748 = tpu.memref_squeeze %dma_start3A_747 : memref<1x1x128x32xf32, #tpu.memory_space<vmem>> -> memref<128x32xf32, #tpu.memory_space<vmem>>
        %dma_start3A_749 = arith.constant 0 : i32
        %dma_start3A_750 = tpu.memref_slice %arg5[%rem3A_390, %dma_start3A_743, %dma_start3A_749] : memref<2x8x128xi32, #tpu.memory_space<vmem>> -> memref<1x1x128xi32, #tpu.memory_space<vmem>>
        %dma_start3A_751 = tpu.memref_squeeze %dma_start3A_750 : memref<1x1x128xi32, #tpu.memory_space<vmem>> -> memref<128xi32, #tpu.memory_space<vmem>>
        %dma_start3A_752 = arith.constant 0 : i32
        %dma_start3A_753 = arith.constant 0 : i32
        %dma_start3A_754 = tpu.memref_slice %arg3[%dma_start3A_752, %dma_start3A_753] : memref<134513x32xf32, #tpu.memory_space<hbm>> -> memref<134513x32xf32, #tpu.memory_space<hbm>>
        %dma_start3A_755 = tpu.memref_slice %arg9[%rem3A_390] : memref<2x!tpu.dma_semaphore, #tpu.memory_space<semaphore_mem>> -> memref<1x!tpu.dma_semaphore, #tpu.memory_space<semaphore_mem>>
        %dma_start3A_756 = tpu.memref_squeeze %dma_start3A_755 : memref<1x!tpu.dma_semaphore, #tpu.memory_space<semaphore_mem>> -> memref<!tpu.dma_semaphore, #tpu.memory_space<semaphore_mem>>
        tpu.enqueue_indirect_dma source(%dma_start3A_754 : memref<134513x32xf32, #tpu.memory_space<hbm>>) target(%dma_start3A_748 : memref<128x32xf32, #tpu.memory_space<vmem>>) offsets(%dma_start3A_751 : memref<128xi32, #tpu.memory_space<vmem>>) semaphore(%dma_start3A_756 : memref<!tpu.dma_semaphore, #tpu.memory_space<semaphore_mem>>)
        %dma_start3A_757 = arith.constant 6 : i32
        %dma_start3A_758 = arith.constant 6 : i32
        %dma_start3A_759 = arith.constant 0 : i32
        %dma_start3A_760 = arith.constant 0 : i32
        %dma_start3A_761 = tpu.memref_slice %arg6[%rem3A_390, %dma_start3A_758, %dma_start3A_759, %dma_start3A_760] : memref<2x8x128x32xf32, #tpu.memory_space<vmem>> -> memref<1x1x128x32xf32, #tpu.memory_space<vmem>>
        %dma_start3A_762 = tpu.memref_squeeze %dma_start3A_761 : memref<1x1x128x32xf32, #tpu.memory_space<vmem>> -> memref<128x32xf32, #tpu.memory_space<vmem>>
        %dma_start3A_763 = arith.constant 0 : i32
        %dma_start3A_764 = tpu.memref_slice %arg5[%rem3A_390, %dma_start3A_757, %dma_start3A_763] : memref<2x8x128xi32, #tpu.memory_space<vmem>> -> memref<1x1x128xi32, #tpu.memory_space<vmem>>
        %dma_start3A_765 = tpu.memref_squeeze %dma_start3A_764 : memref<1x1x128xi32, #tpu.memory_space<vmem>> -> memref<128xi32, #tpu.memory_space<vmem>>
        %dma_start3A_766 = arith.constant 0 : i32
        %dma_start3A_767 = arith.constant 0 : i32
        %dma_start3A_768 = tpu.memref_slice %arg3[%dma_start3A_766, %dma_start3A_767] : memref<134513x32xf32, #tpu.memory_space<hbm>> -> memref<134513x32xf32, #tpu.memory_space<hbm>>
        %dma_start3A_769 = tpu.memref_slice %arg9[%rem3A_390] : memref<2x!tpu.dma_semaphore, #tpu.memory_space<semaphore_mem>> -> memref<1x!tpu.dma_semaphore, #tpu.memory_space<semaphore_mem>>
        %dma_start3A_770 = tpu.memref_squeeze %dma_start3A_769 : memref<1x!tpu.dma_semaphore, #tpu.memory_space<semaphore_mem>> -> memref<!tpu.dma_semaphore, #tpu.memory_space<semaphore_mem>>
        tpu.enqueue_indirect_dma source(%dma_start3A_768 : memref<134513x32xf32, #tpu.memory_space<hbm>>) target(%dma_start3A_762 : memref<128x32xf32, #tpu.memory_space<vmem>>) offsets(%dma_start3A_765 : memref<128xi32, #tpu.memory_space<vmem>>) semaphore(%dma_start3A_770 : memref<!tpu.dma_semaphore, #tpu.memory_space<semaphore_mem>>)
        %dma_start3A_771 = arith.constant 7 : i32
        %dma_start3A_772 = arith.constant 7 : i32
        %dma_start3A_773 = arith.constant 0 : i32
        %dma_start3A_774 = arith.constant 0 : i32
        %dma_start3A_775 = tpu.memref_slice %arg6[%rem3A_390, %dma_start3A_772, %dma_start3A_773, %dma_start3A_774] : memref<2x8x128x32xf32, #tpu.memory_space<vmem>> -> memref<1x1x128x32xf32, #tpu.memory_space<vmem>>
        %dma_start3A_776 = tpu.memref_squeeze %dma_start3A_775 : memref<1x1x128x32xf32, #tpu.memory_space<vmem>> -> memref<128x32xf32, #tpu.memory_space<vmem>>
        %dma_start3A_777 = arith.constant 0 : i32
        %dma_start3A_778 = tpu.memref_slice %arg5[%rem3A_390, %dma_start3A_771, %dma_start3A_777] : memref<2x8x128xi32, #tpu.memory_space<vmem>> -> memref<1x1x128xi32, #tpu.memory_space<vmem>>
        %dma_start3A_779 = tpu.memref_squeeze %dma_start3A_778 : memref<1x1x128xi32, #tpu.memory_space<vmem>> -> memref<128xi32, #tpu.memory_space<vmem>>
        %dma_start3A_780 = arith.constant 0 : i32
        %dma_start3A_781 = arith.constant 0 : i32
        %dma_start3A_782 = tpu.memref_slice %arg3[%dma_start3A_780, %dma_start3A_781] : memref<134513x32xf32, #tpu.memory_space<hbm>> -> memref<134513x32xf32, #tpu.memory_space<hbm>>
        %dma_start3A_783 = tpu.memref_slice %arg9[%rem3A_390] : memref<2x!tpu.dma_semaphore, #tpu.memory_space<semaphore_mem>> -> memref<1x!tpu.dma_semaphore, #tpu.memory_space<semaphore_mem>>
        %dma_start3A_784 = tpu.memref_squeeze %dma_start3A_783 : memref<1x!tpu.dma_semaphore, #tpu.memory_space<semaphore_mem>> -> memref<!tpu.dma_semaphore, #tpu.memory_space<semaphore_mem>>
        tpu.enqueue_indirect_dma source(%dma_start3A_782 : memref<134513x32xf32, #tpu.memory_space<hbm>>) target(%dma_start3A_776 : memref<128x32xf32, #tpu.memory_space<vmem>>) offsets(%dma_start3A_779 : memref<128xi32, #tpu.memory_space<vmem>>) semaphore(%dma_start3A_784 : memref<!tpu.dma_semaphore, #tpu.memory_space<semaphore_mem>>)
      } else {
      }
      %dma_wait3A_395 = arith.constant 0 : i32
      %dma_wait3A_396 = arith.constant 0 : i32
      %dma_wait3A_397 = arith.constant 0 : i32
      %dma_wait3A_398 = arith.constant 0 : i32
      %dma_wait3A_399 = tpu.memref_slice %arg6[%rem3A_386, %dma_wait3A_396, %dma_wait3A_397, %dma_wait3A_398] : memref<2x8x128x32xf32, #tpu.memory_space<vmem>> -> memref<1x1x128x32xf32, #tpu.memory_space<vmem>>
      %dma_wait3A_400 = tpu.memref_squeeze %dma_wait3A_399 : memref<1x1x128x32xf32, #tpu.memory_space<vmem>> -> memref<128x32xf32, #tpu.memory_space<vmem>>
      %dma_wait3A_401 = arith.constant 0 : i32
      %dma_wait3A_402 = tpu.memref_slice %arg5[%rem3A_386, %dma_wait3A_395, %dma_wait3A_401] : memref<2x8x128xi32, #tpu.memory_space<vmem>> -> memref<1x1x128xi32, #tpu.memory_space<vmem>>
      %dma_wait3A_403 = tpu.memref_squeeze %dma_wait3A_402 : memref<1x1x128xi32, #tpu.memory_space<vmem>> -> memref<128xi32, #tpu.memory_space<vmem>>
      %dma_wait3A_404 = arith.constant 0 : i32
      %dma_wait3A_405 = arith.constant 0 : i32
      %dma_wait3A_406 = tpu.memref_slice %arg3[%dma_wait3A_404, %dma_wait3A_405] : memref<134513x32xf32, #tpu.memory_space<hbm>> -> memref<134513x32xf32, #tpu.memory_space<hbm>>
      %dma_wait3A_407 = tpu.memref_slice %arg9[%rem3A_386] : memref<2x!tpu.dma_semaphore, #tpu.memory_space<semaphore_mem>> -> memref<1x!tpu.dma_semaphore, #tpu.memory_space<semaphore_mem>>
      %dma_wait3A_408 = tpu.memref_squeeze %dma_wait3A_407 : memref<1x!tpu.dma_semaphore, #tpu.memory_space<semaphore_mem>> -> memref<!tpu.dma_semaphore, #tpu.memory_space<semaphore_mem>>
      tpu.wait_indirect_dma semaphore(%dma_wait3A_408 : memref<!tpu.dma_semaphore, #tpu.memory_space<semaphore_mem>>) src(%dma_wait3A_406 : memref<134513x32xf32, #tpu.memory_space<hbm>>) dst(%dma_wait3A_400 : memref<128x32xf32, #tpu.memory_space<vmem>>)
      %dma_wait3A_409 = arith.constant 1 : i32
      %dma_wait3A_410 = arith.constant 1 : i32
      %dma_wait3A_411 = arith.constant 0 : i32
      %dma_wait3A_412 = arith.constant 0 : i32
      %dma_wait3A_413 = tpu.memref_slice %arg6[%rem3A_386, %dma_wait3A_410, %dma_wait3A_411, %dma_wait3A_412] : memref<2x8x128x32xf32, #tpu.memory_space<vmem>> -> memref<1x1x128x32xf32, #tpu.memory_space<vmem>>
      %dma_wait3A_414 = tpu.memref_squeeze %dma_wait3A_413 : memref<1x1x128x32xf32, #tpu.memory_space<vmem>> -> memref<128x32xf32, #tpu.memory_space<vmem>>
      %dma_wait3A_415 = arith.constant 0 : i32
      %dma_wait3A_416 = tpu.memref_slice %arg5[%rem3A_386, %dma_wait3A_409, %dma_wait3A_415] : memref<2x8x128xi32, #tpu.memory_space<vmem>> -> memref<1x1x128xi32, #tpu.memory_space<vmem>>
      %dma_wait3A_417 = tpu.memref_squeeze %dma_wait3A_416 : memref<1x1x128xi32, #tpu.memory_space<vmem>> -> memref<128xi32, #tpu.memory_space<vmem>>
      %dma_wait3A_418 = arith.constant 0 : i32
      %dma_wait3A_419 = arith.constant 0 : i32
      %dma_wait3A_420 = tpu.memref_slice %arg3[%dma_wait3A_418, %dma_wait3A_419] : memref<134513x32xf32, #tpu.memory_space<hbm>> -> memref<134513x32xf32, #tpu.memory_space<hbm>>
      %dma_wait3A_421 = tpu.memref_slice %arg9[%rem3A_386] : memref<2x!tpu.dma_semaphore, #tpu.memory_space<semaphore_mem>> -> memref<1x!tpu.dma_semaphore, #tpu.memory_space<semaphore_mem>>
      %dma_wait3A_422 = tpu.memref_squeeze %dma_wait3A_421 : memref<1x!tpu.dma_semaphore, #tpu.memory_space<semaphore_mem>> -> memref<!tpu.dma_semaphore, #tpu.memory_space<semaphore_mem>>
      tpu.wait_indirect_dma semaphore(%dma_wait3A_422 : memref<!tpu.dma_semaphore, #tpu.memory_space<semaphore_mem>>) src(%dma_wait3A_420 : memref<134513x32xf32, #tpu.memory_space<hbm>>) dst(%dma_wait3A_414 : memref<128x32xf32, #tpu.memory_space<vmem>>)
      %dma_wait3A_423 = arith.constant 2 : i32
      %dma_wait3A_424 = arith.constant 2 : i32
      %dma_wait3A_425 = arith.constant 0 : i32
      %dma_wait3A_426 = arith.constant 0 : i32
      %dma_wait3A_427 = tpu.memref_slice %arg6[%rem3A_386, %dma_wait3A_424, %dma_wait3A_425, %dma_wait3A_426] : memref<2x8x128x32xf32, #tpu.memory_space<vmem>> -> memref<1x1x128x32xf32, #tpu.memory_space<vmem>>
      %dma_wait3A_428 = tpu.memref_squeeze %dma_wait3A_427 : memref<1x1x128x32xf32, #tpu.memory_space<vmem>> -> memref<128x32xf32, #tpu.memory_space<vmem>>
      %dma_wait3A_429 = arith.constant 0 : i32
      %dma_wait3A_430 = tpu.memref_slice %arg5[%rem3A_386, %dma_wait3A_423, %dma_wait3A_429] : memref<2x8x128xi32, #tpu.memory_space<vmem>> -> memref<1x1x128xi32, #tpu.memory_space<vmem>>
      %dma_wait3A_431 = tpu.memref_squeeze %dma_wait3A_430 : memref<1x1x128xi32, #tpu.memory_space<vmem>> -> memref<128xi32, #tpu.memory_space<vmem>>
      %dma_wait3A_432 = arith.constant 0 : i32
      %dma_wait3A_433 = arith.constant 0 : i32
      %dma_wait3A_434 = tpu.memref_slice %arg3[%dma_wait3A_432, %dma_wait3A_433] : memref<134513x32xf32, #tpu.memory_space<hbm>> -> memref<134513x32xf32, #tpu.memory_space<hbm>>
      %dma_wait3A_435 = tpu.memref_slice %arg9[%rem3A_386] : memref<2x!tpu.dma_semaphore, #tpu.memory_space<semaphore_mem>> -> memref<1x!tpu.dma_semaphore, #tpu.memory_space<semaphore_mem>>
      %dma_wait3A_436 = tpu.memref_squeeze %dma_wait3A_435 : memref<1x!tpu.dma_semaphore, #tpu.memory_space<semaphore_mem>> -> memref<!tpu.dma_semaphore, #tpu.memory_space<semaphore_mem>>
      tpu.wait_indirect_dma semaphore(%dma_wait3A_436 : memref<!tpu.dma_semaphore, #tpu.memory_space<semaphore_mem>>) src(%dma_wait3A_434 : memref<134513x32xf32, #tpu.memory_space<hbm>>) dst(%dma_wait3A_428 : memref<128x32xf32, #tpu.memory_space<vmem>>)
      %dma_wait3A_437 = arith.constant 3 : i32
      %dma_wait3A_438 = arith.constant 3 : i32
      %dma_wait3A_439 = arith.constant 0 : i32
      %dma_wait3A_440 = arith.constant 0 : i32
      %dma_wait3A_441 = tpu.memref_slice %arg6[%rem3A_386, %dma_wait3A_438, %dma_wait3A_439, %dma_wait3A_440] : memref<2x8x128x32xf32, #tpu.memory_space<vmem>> -> memref<1x1x128x32xf32, #tpu.memory_space<vmem>>
      %dma_wait3A_442 = tpu.memref_squeeze %dma_wait3A_441 : memref<1x1x128x32xf32, #tpu.memory_space<vmem>> -> memref<128x32xf32, #tpu.memory_space<vmem>>
      %dma_wait3A_443 = arith.constant 0 : i32
      %dma_wait3A_444 = tpu.memref_slice %arg5[%rem3A_386, %dma_wait3A_437, %dma_wait3A_443] : memref<2x8x128xi32, #tpu.memory_space<vmem>> -> memref<1x1x128xi32, #tpu.memory_space<vmem>>
      %dma_wait3A_445 = tpu.memref_squeeze %dma_wait3A_444 : memref<1x1x128xi32, #tpu.memory_space<vmem>> -> memref<128xi32, #tpu.memory_space<vmem>>
      %dma_wait3A_446 = arith.constant 0 : i32
      %dma_wait3A_447 = arith.constant 0 : i32
      %dma_wait3A_448 = tpu.memref_slice %arg3[%dma_wait3A_446, %dma_wait3A_447] : memref<134513x32xf32, #tpu.memory_space<hbm>> -> memref<134513x32xf32, #tpu.memory_space<hbm>>
      %dma_wait3A_449 = tpu.memref_slice %arg9[%rem3A_386] : memref<2x!tpu.dma_semaphore, #tpu.memory_space<semaphore_mem>> -> memref<1x!tpu.dma_semaphore, #tpu.memory_space<semaphore_mem>>
      %dma_wait3A_450 = tpu.memref_squeeze %dma_wait3A_449 : memref<1x!tpu.dma_semaphore, #tpu.memory_space<semaphore_mem>> -> memref<!tpu.dma_semaphore, #tpu.memory_space<semaphore_mem>>
      tpu.wait_indirect_dma semaphore(%dma_wait3A_450 : memref<!tpu.dma_semaphore, #tpu.memory_space<semaphore_mem>>) src(%dma_wait3A_448 : memref<134513x32xf32, #tpu.memory_space<hbm>>) dst(%dma_wait3A_442 : memref<128x32xf32, #tpu.memory_space<vmem>>)
      %dma_wait3A_451 = arith.constant 4 : i32
      %dma_wait3A_452 = arith.constant 4 : i32
      %dma_wait3A_453 = arith.constant 0 : i32
      %dma_wait3A_454 = arith.constant 0 : i32
      %dma_wait3A_455 = tpu.memref_slice %arg6[%rem3A_386, %dma_wait3A_452, %dma_wait3A_453, %dma_wait3A_454] : memref<2x8x128x32xf32, #tpu.memory_space<vmem>> -> memref<1x1x128x32xf32, #tpu.memory_space<vmem>>
      %dma_wait3A_456 = tpu.memref_squeeze %dma_wait3A_455 : memref<1x1x128x32xf32, #tpu.memory_space<vmem>> -> memref<128x32xf32, #tpu.memory_space<vmem>>
      %dma_wait3A_457 = arith.constant 0 : i32
      %dma_wait3A_458 = tpu.memref_slice %arg5[%rem3A_386, %dma_wait3A_451, %dma_wait3A_457] : memref<2x8x128xi32, #tpu.memory_space<vmem>> -> memref<1x1x128xi32, #tpu.memory_space<vmem>>
      %dma_wait3A_459 = tpu.memref_squeeze %dma_wait3A_458 : memref<1x1x128xi32, #tpu.memory_space<vmem>> -> memref<128xi32, #tpu.memory_space<vmem>>
      %dma_wait3A_460 = arith.constant 0 : i32
      %dma_wait3A_461 = arith.constant 0 : i32
      %dma_wait3A_462 = tpu.memref_slice %arg3[%dma_wait3A_460, %dma_wait3A_461] : memref<134513x32xf32, #tpu.memory_space<hbm>> -> memref<134513x32xf32, #tpu.memory_space<hbm>>
      %dma_wait3A_463 = tpu.memref_slice %arg9[%rem3A_386] : memref<2x!tpu.dma_semaphore, #tpu.memory_space<semaphore_mem>> -> memref<1x!tpu.dma_semaphore, #tpu.memory_space<semaphore_mem>>
      %dma_wait3A_464 = tpu.memref_squeeze %dma_wait3A_463 : memref<1x!tpu.dma_semaphore, #tpu.memory_space<semaphore_mem>> -> memref<!tpu.dma_semaphore, #tpu.memory_space<semaphore_mem>>
      tpu.wait_indirect_dma semaphore(%dma_wait3A_464 : memref<!tpu.dma_semaphore, #tpu.memory_space<semaphore_mem>>) src(%dma_wait3A_462 : memref<134513x32xf32, #tpu.memory_space<hbm>>) dst(%dma_wait3A_456 : memref<128x32xf32, #tpu.memory_space<vmem>>)
      %dma_wait3A_465 = arith.constant 5 : i32
      %dma_wait3A_466 = arith.constant 5 : i32
      %dma_wait3A_467 = arith.constant 0 : i32
      %dma_wait3A_468 = arith.constant 0 : i32
      %dma_wait3A_469 = tpu.memref_slice %arg6[%rem3A_386, %dma_wait3A_466, %dma_wait3A_467, %dma_wait3A_468] : memref<2x8x128x32xf32, #tpu.memory_space<vmem>> -> memref<1x1x128x32xf32, #tpu.memory_space<vmem>>
      %dma_wait3A_470 = tpu.memref_squeeze %dma_wait3A_469 : memref<1x1x128x32xf32, #tpu.memory_space<vmem>> -> memref<128x32xf32, #tpu.memory_space<vmem>>
      %dma_wait3A_471 = arith.constant 0 : i32
      %dma_wait3A_472 = tpu.memref_slice %arg5[%rem3A_386, %dma_wait3A_465, %dma_wait3A_471] : memref<2x8x128xi32, #tpu.memory_space<vmem>> -> memref<1x1x128xi32, #tpu.memory_space<vmem>>
      %dma_wait3A_473 = tpu.memref_squeeze %dma_wait3A_472 : memref<1x1x128xi32, #tpu.memory_space<vmem>> -> memref<128xi32, #tpu.memory_space<vmem>>
      %dma_wait3A_474 = arith.constant 0 : i32
      %dma_wait3A_475 = arith.constant 0 : i32
      %dma_wait3A_476 = tpu.memref_slice %arg3[%dma_wait3A_474, %dma_wait3A_475] : memref<134513x32xf32, #tpu.memory_space<hbm>> -> memref<134513x32xf32, #tpu.memory_space<hbm>>
      %dma_wait3A_477 = tpu.memref_slice %arg9[%rem3A_386] : memref<2x!tpu.dma_semaphore, #tpu.memory_space<semaphore_mem>> -> memref<1x!tpu.dma_semaphore, #tpu.memory_space<semaphore_mem>>
      %dma_wait3A_478 = tpu.memref_squeeze %dma_wait3A_477 : memref<1x!tpu.dma_semaphore, #tpu.memory_space<semaphore_mem>> -> memref<!tpu.dma_semaphore, #tpu.memory_space<semaphore_mem>>
      tpu.wait_indirect_dma semaphore(%dma_wait3A_478 : memref<!tpu.dma_semaphore, #tpu.memory_space<semaphore_mem>>) src(%dma_wait3A_476 : memref<134513x32xf32, #tpu.memory_space<hbm>>) dst(%dma_wait3A_470 : memref<128x32xf32, #tpu.memory_space<vmem>>)
      %dma_wait3A_479 = arith.constant 6 : i32
      %dma_wait3A_480 = arith.constant 6 : i32
      %dma_wait3A_481 = arith.constant 0 : i32
      %dma_wait3A_482 = arith.constant 0 : i32
      %dma_wait3A_483 = tpu.memref_slice %arg6[%rem3A_386, %dma_wait3A_480, %dma_wait3A_481, %dma_wait3A_482] : memref<2x8x128x32xf32, #tpu.memory_space<vmem>> -> memref<1x1x128x32xf32, #tpu.memory_space<vmem>>
      %dma_wait3A_484 = tpu.memref_squeeze %dma_wait3A_483 : memref<1x1x128x32xf32, #tpu.memory_space<vmem>> -> memref<128x32xf32, #tpu.memory_space<vmem>>
      %dma_wait3A_485 = arith.constant 0 : i32
      %dma_wait3A_486 = tpu.memref_slice %arg5[%rem3A_386, %dma_wait3A_479, %dma_wait3A_485] : memref<2x8x128xi32, #tpu.memory_space<vmem>> -> memref<1x1x128xi32, #tpu.memory_space<vmem>>
      %dma_wait3A_487 = tpu.memref_squeeze %dma_wait3A_486 : memref<1x1x128xi32, #tpu.memory_space<vmem>> -> memref<128xi32, #tpu.memory_space<vmem>>
      %dma_wait3A_488 = arith.constant 0 : i32
      %dma_wait3A_489 = arith.constant 0 : i32
      %dma_wait3A_490 = tpu.memref_slice %arg3[%dma_wait3A_488, %dma_wait3A_489] : memref<134513x32xf32, #tpu.memory_space<hbm>> -> memref<134513x32xf32, #tpu.memory_space<hbm>>
      %dma_wait3A_491 = tpu.memref_slice %arg9[%rem3A_386] : memref<2x!tpu.dma_semaphore, #tpu.memory_space<semaphore_mem>> -> memref<1x!tpu.dma_semaphore, #tpu.memory_space<semaphore_mem>>
      %dma_wait3A_492 = tpu.memref_squeeze %dma_wait3A_491 : memref<1x!tpu.dma_semaphore, #tpu.memory_space<semaphore_mem>> -> memref<!tpu.dma_semaphore, #tpu.memory_space<semaphore_mem>>
      tpu.wait_indirect_dma semaphore(%dma_wait3A_492 : memref<!tpu.dma_semaphore, #tpu.memory_space<semaphore_mem>>) src(%dma_wait3A_490 : memref<134513x32xf32, #tpu.memory_space<hbm>>) dst(%dma_wait3A_484 : memref<128x32xf32, #tpu.memory_space<vmem>>)
      %dma_wait3A_493 = arith.constant 7 : i32
      %dma_wait3A_494 = arith.constant 7 : i32
      %dma_wait3A_495 = arith.constant 0 : i32
      %dma_wait3A_496 = arith.constant 0 : i32
      %dma_wait3A_497 = tpu.memref_slice %arg6[%rem3A_386, %dma_wait3A_494, %dma_wait3A_495, %dma_wait3A_496] : memref<2x8x128x32xf32, #tpu.memory_space<vmem>> -> memref<1x1x128x32xf32, #tpu.memory_space<vmem>>
      %dma_wait3A_498 = tpu.memref_squeeze %dma_wait3A_497 : memref<1x1x128x32xf32, #tpu.memory_space<vmem>> -> memref<128x32xf32, #tpu.memory_space<vmem>>
      %dma_wait3A_499 = arith.constant 0 : i32
      %dma_wait3A_500 = tpu.memref_slice %arg5[%rem3A_386, %dma_wait3A_493, %dma_wait3A_499] : memref<2x8x128xi32, #tpu.memory_space<vmem>> -> memref<1x1x128xi32, #tpu.memory_space<vmem>>
      %dma_wait3A_501 = tpu.memref_squeeze %dma_wait3A_500 : memref<1x1x128xi32, #tpu.memory_space<vmem>> -> memref<128xi32, #tpu.memory_space<vmem>>
      %dma_wait3A_502 = arith.constant 0 : i32
      %dma_wait3A_503 = arith.constant 0 : i32
      %dma_wait3A_504 = tpu.memref_slice %arg3[%dma_wait3A_502, %dma_wait3A_503] : memref<134513x32xf32, #tpu.memory_space<hbm>> -> memref<134513x32xf32, #tpu.memory_space<hbm>>
      %dma_wait3A_505 = tpu.memref_slice %arg9[%rem3A_386] : memref<2x!tpu.dma_semaphore, #tpu.memory_space<semaphore_mem>> -> memref<1x!tpu.dma_semaphore, #tpu.memory_space<semaphore_mem>>
      %dma_wait3A_506 = tpu.memref_squeeze %dma_wait3A_505 : memref<1x!tpu.dma_semaphore, #tpu.memory_space<semaphore_mem>> -> memref<!tpu.dma_semaphore, #tpu.memory_space<semaphore_mem>>
      tpu.wait_indirect_dma semaphore(%dma_wait3A_506 : memref<!tpu.dma_semaphore, #tpu.memory_space<semaphore_mem>>) src(%dma_wait3A_504 : memref<134513x32xf32, #tpu.memory_space<hbm>>) dst(%dma_wait3A_498 : memref<128x32xf32, #tpu.memory_space<vmem>>)
      %add3A_507 = arith.constant 2 : i32
      %add3A_508 = arith.addi %scan3A_383, %add3A_507 : i32
      %lt3A_509 = arith.constant 100 : i32
      %lt3A_510 = arith.cmpi slt, %add3A_508, %lt3A_509 : i32
      %convert_element_type3A_511 = arith.extui %lt3A_510 : i1 to i32
      %cond3A_512 = arith.constant 0 : i32
      %cond3A_513 = arith.cmpi ne, %convert_element_type3A_511, %cond3A_512 : i32
      scf.if %cond3A_513 {
        %add3A_624 = arith.constant 2 : i32
        %add3A_625 = arith.addi %scan3A_383, %add3A_624 : i32
        %add3A_626 = arith.addi %mul3A_2, %add3A_625 : i32
        %jit3A_627 = arith.constant 128 : i32
        %div3A_628 = arith.divsi %add3A_626, %jit3A_627 : i32
        %sign3A_629 = arith.constant 0 : i32
        %sign3A_630 = arith.cmpi sgt, %add3A_626, %sign3A_629 : i32
        %sign3A_631 = arith.extui %sign3A_630 : i1 to i32
        %sign3A_632 = arith.constant 0 : i32
        %sign3A_633 = arith.cmpi slt, %add3A_626, %sign3A_632 : i32
        %sign3A_634 = arith.extui %sign3A_633 : i1 to i32
        %sign3A_635 = arith.subi %sign3A_631, %sign3A_634 : i32
        %sign3A_636 = arith.constant 0 : i32
        %sign3A_637 = arith.cmpi sgt, %jit3A_627, %sign3A_636 : i32
        %sign3A_638 = arith.extui %sign3A_637 : i1 to i32
        %sign3A_639 = arith.constant 0 : i32
        %sign3A_640 = arith.cmpi slt, %jit3A_627, %sign3A_639 : i32
        %sign3A_641 = arith.extui %sign3A_640 : i1 to i32
        %sign3A_642 = arith.subi %sign3A_638, %sign3A_641 : i32
        %ne3A_643 = arith.cmpi ne, %sign3A_635, %sign3A_642 : i32
        %rem3A_644 = arith.remsi %add3A_626, %jit3A_627 : i32
        %ne3A_645 = arith.constant 0 : i32
        %ne3A_646 = arith.cmpi ne, %rem3A_644, %ne3A_645 : i32
        %and3A_647 = arith.andi %ne3A_643, %ne3A_646 : i1
        %sub3A_648 = arith.constant 1 : i32
        %sub3A_649 = arith.subi %div3A_628, %sub3A_648 : i32
        %select_n3A_650 = arith.select %and3A_647, %sub3A_649, %div3A_628 : i32
        %rem3A_651 = arith.constant 128 : i32
        %rem3A_652 = arith.remsi %add3A_626, %rem3A_651 : i32
        %dma_start3A_653 = arith.constant 0 : i32
        %dma_start3A_654 = arith.constant 0 : i32
        %dma_start3A_655 = tpu.memref_slice %arg5[%rem3A_386, %dma_start3A_653, %dma_start3A_654] : memref<2x8x128xi32, #tpu.memory_space<vmem>> -> memref<1x8x128xi32, #tpu.memory_space<vmem>>
        %dma_start3A_656 = tpu.memref_squeeze %dma_start3A_655 : memref<1x8x128xi32, #tpu.memory_space<vmem>> -> memref<8x128xi32, #tpu.memory_space<vmem>>
        %dma_start3A_657 = arith.constant 0 : i32
        %dma_start3A_658 = arith.constant 0 : i32
        %dma_start3A_659 = tpu.memref_slice %arg2[%select_n3A_650, %rem3A_652, %dma_start3A_657, %dma_start3A_658] : memref<25x128x8x128xi32, #tpu.memory_space<hbm>> -> memref<1x1x8x128xi32, #tpu.memory_space<hbm>>
        %dma_start3A_660 = tpu.memref_squeeze %dma_start3A_659 : memref<1x1x8x128xi32, #tpu.memory_space<hbm>> -> memref<8x128xi32, #tpu.memory_space<hbm>>
        %dma_start3A_661 = tpu.memref_slice %arg8[%rem3A_386] : memref<2x!tpu.dma_semaphore, #tpu.memory_space<semaphore_mem>> -> memref<1x!tpu.dma_semaphore, #tpu.memory_space<semaphore_mem>>
        %dma_start3A_662 = tpu.memref_squeeze %dma_start3A_661 : memref<1x!tpu.dma_semaphore, #tpu.memory_space<semaphore_mem>> -> memref<!tpu.dma_semaphore, #tpu.memory_space<semaphore_mem>>
        %dma_start3A_663 = arith.constant 0 : i32
        %dma_start3A_664 = arith.constant 0 : i32
        %dma_start3A_665 = tpu.memref_slice %arg5[%rem3A_386, %dma_start3A_663, %dma_start3A_664] : memref<2x8x128xi32, #tpu.memory_space<vmem>> -> memref<1x8x128xi32, #tpu.memory_space<vmem>>
        %dma_start3A_666 = tpu.memref_squeeze %dma_start3A_665 : memref<1x8x128xi32, #tpu.memory_space<vmem>> -> memref<8x128xi32, #tpu.memory_space<vmem>>
        %dma_start3A_667 = arith.constant 0 : i32
        %dma_start3A_668 = arith.constant 0 : i32
        %dma_start3A_669 = tpu.memref_slice %arg2[%select_n3A_650, %rem3A_652, %dma_start3A_667, %dma_start3A_668] : memref<25x128x8x128xi32, #tpu.memory_space<hbm>> -> memref<1x1x8x128xi32, #tpu.memory_space<hbm>>
        %dma_start3A_670 = tpu.memref_squeeze %dma_start3A_669 : memref<1x1x8x128xi32, #tpu.memory_space<hbm>> -> memref<8x128xi32, #tpu.memory_space<hbm>>
        tpu.enqueue_dma source(%dma_start3A_670 : memref<8x128xi32, #tpu.memory_space<hbm>>) target(%dma_start3A_666 : memref<8x128xi32, #tpu.memory_space<vmem>>) target_semaphore(%dma_start3A_662 : memref<!tpu.dma_semaphore, #tpu.memory_space<semaphore_mem>>)
      } else {
      }
      %gt3A = arith.constant 0 : i32
      %gt3A_514 = arith.cmpi sgt, %scan3A_383, %gt3A : i32
      %convert_element_type3A_515 = arith.extui %gt3A_514 : i1 to i32
      %cond3A_516 = arith.constant 0 : i32
      %cond3A_517 = arith.cmpi ne, %convert_element_type3A_515, %cond3A_516 : i32
      scf.if %cond3A_517 {
        %sub3A_624 = arith.constant 1 : i32
        %sub3A_625 = arith.subi %scan3A_383, %sub3A_624 : i32
        %add3A_626 = arith.addi %mul3A_2, %sub3A_625 : i32
        %jit3A_627 = arith.constant 128 : i32
        %div3A_628 = arith.divsi %add3A_626, %jit3A_627 : i32
        %sign3A_629 = arith.constant 0 : i32
        %sign3A_630 = arith.cmpi sgt, %add3A_626, %sign3A_629 : i32
        %sign3A_631 = arith.extui %sign3A_630 : i1 to i32
        %sign3A_632 = arith.constant 0 : i32
        %sign3A_633 = arith.cmpi slt, %add3A_626, %sign3A_632 : i32
        %sign3A_634 = arith.extui %sign3A_633 : i1 to i32
        %sign3A_635 = arith.subi %sign3A_631, %sign3A_634 : i32
        %sign3A_636 = arith.constant 0 : i32
        %sign3A_637 = arith.cmpi sgt, %jit3A_627, %sign3A_636 : i32
        %sign3A_638 = arith.extui %sign3A_637 : i1 to i32
        %sign3A_639 = arith.constant 0 : i32
        %sign3A_640 = arith.cmpi slt, %jit3A_627, %sign3A_639 : i32
        %sign3A_641 = arith.extui %sign3A_640 : i1 to i32
        %sign3A_642 = arith.subi %sign3A_638, %sign3A_641 : i32
        %ne3A_643 = arith.cmpi ne, %sign3A_635, %sign3A_642 : i32
        %rem3A_644 = arith.remsi %add3A_626, %jit3A_627 : i32
        %ne3A_645 = arith.constant 0 : i32
        %ne3A_646 = arith.cmpi ne, %rem3A_644, %ne3A_645 : i32
        %and3A_647 = arith.andi %ne3A_643, %ne3A_646 : i1
        %sub3A_648 = arith.constant 1 : i32
        %sub3A_649 = arith.subi %div3A_628, %sub3A_648 : i32
        %select_n3A_650 = arith.select %and3A_647, %sub3A_649, %div3A_628 : i32
        %rem3A_651 = arith.constant 128 : i32
        %rem3A_652 = arith.remsi %add3A_626, %rem3A_651 : i32
        %mul3A_653 = arith.constant 8 : i32
        %mul3A_654 = arith.muli %select_n3A_650, %mul3A_653 : i32
        %mul3A_655 = arith.constant 8 : i32
        %mul3A_656 = arith.muli %select_n3A_650, %mul3A_655 : i32
        %mul3A_657 = arith.constant 8 : i32
        %mul3A_658 = arith.muli %select_n3A_650, %mul3A_657 : i32
        %mul3A_659 = arith.constant 8 : i32
        %mul3A_660 = arith.muli %select_n3A_650, %mul3A_659 : i32
        %dma_wait3A_661 = arith.constant 0 : i32
        %dma_wait3A_662 = arith.constant 0 : i32
        %dma_wait3A_663 = arith.constant 0 : i32
        %dma_wait3A_664 = arith.constant 0 : i32
        %dma_wait3A_665 = tpu.memref_slice %arg7[%dma_wait3A_662, %dma_wait3A_663, %dma_wait3A_664] : memref<8x32x129xf32, #tpu.memory_space<vmem>> -> memref<8x8x128xf32, #tpu.memory_space<vmem>>
        %dma_wait3A_666 = arith.constant 0 : i32
        %dma_wait3A_667 = arith.constant 0 : i32
        %dma_wait3A_668 = tpu.memref_slice %arg4[%mul3A_654, %dma_wait3A_661, %rem3A_652, %dma_wait3A_666, %dma_wait3A_667] : memref<200x4x128x8x128xf32, #tpu.memory_space<hbm>> -> memref<8x1x1x8x128xf32, #tpu.memory_space<hbm>>
        %dma_wait3A_669 = tpu.memref_squeeze %dma_wait3A_668 : memref<8x1x1x8x128xf32, #tpu.memory_space<hbm>> -> memref<8x8x128xf32, #tpu.memory_space<hbm>>
        %dma_wait3A_670 = arith.constant 0 : i32
        %dma_wait3A_671 = arith.constant 0 : i32
        %dma_wait3A_672 = tpu.memref_slice %arg4[%mul3A_654, %dma_wait3A_661, %rem3A_652, %dma_wait3A_670, %dma_wait3A_671] : memref<200x4x128x8x128xf32, #tpu.memory_space<hbm>> -> memref<8x1x1x8x128xf32, #tpu.memory_space<hbm>>
        %dma_wait3A_673 = tpu.memref_squeeze %dma_wait3A_672 : memref<8x1x1x8x128xf32, #tpu.memory_space<hbm>> -> memref<8x8x128xf32, #tpu.memory_space<hbm>>
        %dma_wait3A_674 = arith.constant 0 : i32
        %dma_wait3A_675 = arith.constant 0 : i32
        %dma_wait3A_676 = arith.constant 0 : i32
        %dma_wait3A_677 = tpu.memref_slice %arg7[%dma_wait3A_674, %dma_wait3A_675, %dma_wait3A_676] : memref<8x32x129xf32, #tpu.memory_space<vmem>> -> memref<8x8x128xf32, #tpu.memory_space<vmem>>
        tpu.wait_dma2 semaphore(%arg10 : memref<!tpu.dma_semaphore, #tpu.memory_space<semaphore_mem>>) src(%dma_wait3A_677 : memref<8x8x128xf32, #tpu.memory_space<vmem>>) dst(%dma_wait3A_673 : memref<8x8x128xf32, #tpu.memory_space<hbm>>)
        %dma_wait3A_678 = arith.constant 1 : i32
        %dma_wait3A_679 = arith.constant 0 : i32
        %dma_wait3A_680 = arith.constant 8 : i32
        %dma_wait3A_681 = arith.constant 0 : i32
        %dma_wait3A_682 = tpu.memref_slice %arg7[%dma_wait3A_679, %dma_wait3A_680, %dma_wait3A_681] : memref<8x32x129xf32, #tpu.memory_space<vmem>> -> memref<8x8x128xf32, #tpu.memory_space<vmem>>
        %dma_wait3A_683 = arith.constant 0 : i32
        %dma_wait3A_684 = arith.constant 0 : i32
        %dma_wait3A_685 = tpu.memref_slice %arg4[%mul3A_656, %dma_wait3A_678, %rem3A_652, %dma_wait3A_683, %dma_wait3A_684] : memref<200x4x128x8x128xf32, #tpu.memory_space<hbm>> -> memref<8x1x1x8x128xf32, #tpu.memory_space<hbm>>
        %dma_wait3A_686 = tpu.memref_squeeze %dma_wait3A_685 : memref<8x1x1x8x128xf32, #tpu.memory_space<hbm>> -> memref<8x8x128xf32, #tpu.memory_space<hbm>>
        %dma_wait3A_687 = arith.constant 0 : i32
        %dma_wait3A_688 = arith.constant 0 : i32
        %dma_wait3A_689 = tpu.memref_slice %arg4[%mul3A_656, %dma_wait3A_678, %rem3A_652, %dma_wait3A_687, %dma_wait3A_688] : memref<200x4x128x8x128xf32, #tpu.memory_space<hbm>> -> memref<8x1x1x8x128xf32, #tpu.memory_space<hbm>>
        %dma_wait3A_690 = tpu.memref_squeeze %dma_wait3A_689 : memref<8x1x1x8x128xf32, #tpu.memory_space<hbm>> -> memref<8x8x128xf32, #tpu.memory_space<hbm>>
        %dma_wait3A_691 = arith.constant 0 : i32
        %dma_wait3A_692 = arith.constant 8 : i32
        %dma_wait3A_693 = arith.constant 0 : i32
        %dma_wait3A_694 = tpu.memref_slice %arg7[%dma_wait3A_691, %dma_wait3A_692, %dma_wait3A_693] : memref<8x32x129xf32, #tpu.memory_space<vmem>> -> memref<8x8x128xf32, #tpu.memory_space<vmem>>
        tpu.wait_dma2 semaphore(%arg10 : memref<!tpu.dma_semaphore, #tpu.memory_space<semaphore_mem>>) src(%dma_wait3A_694 : memref<8x8x128xf32, #tpu.memory_space<vmem>>) dst(%dma_wait3A_690 : memref<8x8x128xf32, #tpu.memory_space<hbm>>)
        %dma_wait3A_695 = arith.constant 2 : i32
        %dma_wait3A_696 = arith.constant 0 : i32
        %dma_wait3A_697 = arith.constant 16 : i32
        %dma_wait3A_698 = arith.constant 0 : i32
        %dma_wait3A_699 = tpu.memref_slice %arg7[%dma_wait3A_696, %dma_wait3A_697, %dma_wait3A_698] : memref<8x32x129xf32, #tpu.memory_space<vmem>> -> memref<8x8x128xf32, #tpu.memory_space<vmem>>
        %dma_wait3A_700 = arith.constant 0 : i32
        %dma_wait3A_701 = arith.constant 0 : i32
        %dma_wait3A_702 = tpu.memref_slice %arg4[%mul3A_658, %dma_wait3A_695, %rem3A_652, %dma_wait3A_700, %dma_wait3A_701] : memref<200x4x128x8x128xf32, #tpu.memory_space<hbm>> -> memref<8x1x1x8x128xf32, #tpu.memory_space<hbm>>
        %dma_wait3A_703 = tpu.memref_squeeze %dma_wait3A_702 : memref<8x1x1x8x128xf32, #tpu.memory_space<hbm>> -> memref<8x8x128xf32, #tpu.memory_space<hbm>>
        %dma_wait3A_704 = arith.constant 0 : i32
        %dma_wait3A_705 = arith.constant 0 : i32
        %dma_wait3A_706 = tpu.memref_slice %arg4[%mul3A_658, %dma_wait3A_695, %rem3A_652, %dma_wait3A_704, %dma_wait3A_705] : memref<200x4x128x8x128xf32, #tpu.memory_space<hbm>> -> memref<8x1x1x8x128xf32, #tpu.memory_space<hbm>>
        %dma_wait3A_707 = tpu.memref_squeeze %dma_wait3A_706 : memref<8x1x1x8x128xf32, #tpu.memory_space<hbm>> -> memref<8x8x128xf32, #tpu.memory_space<hbm>>
        %dma_wait3A_708 = arith.constant 0 : i32
        %dma_wait3A_709 = arith.constant 16 : i32
        %dma_wait3A_710 = arith.constant 0 : i32
        %dma_wait3A_711 = tpu.memref_slice %arg7[%dma_wait3A_708, %dma_wait3A_709, %dma_wait3A_710] : memref<8x32x129xf32, #tpu.memory_space<vmem>> -> memref<8x8x128xf32, #tpu.memory_space<vmem>>
        tpu.wait_dma2 semaphore(%arg10 : memref<!tpu.dma_semaphore, #tpu.memory_space<semaphore_mem>>) src(%dma_wait3A_711 : memref<8x8x128xf32, #tpu.memory_space<vmem>>) dst(%dma_wait3A_707 : memref<8x8x128xf32, #tpu.memory_space<hbm>>)
        %dma_wait3A_712 = arith.constant 3 : i32
        %dma_wait3A_713 = arith.constant 0 : i32
        %dma_wait3A_714 = arith.constant 24 : i32
        %dma_wait3A_715 = arith.constant 0 : i32
        %dma_wait3A_716 = tpu.memref_slice %arg7[%dma_wait3A_713, %dma_wait3A_714, %dma_wait3A_715] : memref<8x32x129xf32, #tpu.memory_space<vmem>> -> memref<8x8x128xf32, #tpu.memory_space<vmem>>
        %dma_wait3A_717 = arith.constant 0 : i32
        %dma_wait3A_718 = arith.constant 0 : i32
        %dma_wait3A_719 = tpu.memref_slice %arg4[%mul3A_660, %dma_wait3A_712, %rem3A_652, %dma_wait3A_717, %dma_wait3A_718] : memref<200x4x128x8x128xf32, #tpu.memory_space<hbm>> -> memref<8x1x1x8x128xf32, #tpu.memory_space<hbm>>
        %dma_wait3A_720 = tpu.memref_squeeze %dma_wait3A_719 : memref<8x1x1x8x128xf32, #tpu.memory_space<hbm>> -> memref<8x8x128xf32, #tpu.memory_space<hbm>>
        %dma_wait3A_721 = arith.constant 0 : i32
        %dma_wait3A_722 = arith.constant 0 : i32
        %dma_wait3A_723 = tpu.memref_slice %arg4[%mul3A_660, %dma_wait3A_712, %rem3A_652, %dma_wait3A_721, %dma_wait3A_722] : memref<200x4x128x8x128xf32, #tpu.memory_space<hbm>> -> memref<8x1x1x8x128xf32, #tpu.memory_space<hbm>>
        %dma_wait3A_724 = tpu.memref_squeeze %dma_wait3A_723 : memref<8x1x1x8x128xf32, #tpu.memory_space<hbm>> -> memref<8x8x128xf32, #tpu.memory_space<hbm>>
        %dma_wait3A_725 = arith.constant 0 : i32
        %dma_wait3A_726 = arith.constant 24 : i32
        %dma_wait3A_727 = arith.constant 0 : i32
        %dma_wait3A_728 = tpu.memref_slice %arg7[%dma_wait3A_725, %dma_wait3A_726, %dma_wait3A_727] : memref<8x32x129xf32, #tpu.memory_space<vmem>> -> memref<8x8x128xf32, #tpu.memory_space<vmem>>
        tpu.wait_dma2 semaphore(%arg10 : memref<!tpu.dma_semaphore, #tpu.memory_space<semaphore_mem>>) src(%dma_wait3A_728 : memref<8x8x128xf32, #tpu.memory_space<vmem>>) dst(%dma_wait3A_724 : memref<8x8x128xf32, #tpu.memory_space<hbm>>)
      } else {
      }
      %parallel_loop3A = arith.constant 0 : i32
      %parallel_loop3A_518 = arith.constant 1024 : i32
      %parallel_loop3A_519 = arith.constant 1 : i32
      scf.for %parallel_loop3A_624 = %parallel_loop3A to %parallel_loop3A_518 step %parallel_loop3A_519  : i32 {
        %parallel_loop3A_625 = arith.constant 7 : i32
        %parallel_loop3A_626 = arith.shrui %parallel_loop3A_624, %parallel_loop3A_625 : i32
        %parallel_loop3A_627 = arith.constant 127 : i32
        %parallel_loop3A_628 = arith.andi %parallel_loop3A_624, %parallel_loop3A_627 : i32
        %parallel_loop3A_629 = arith.constant 1 : i32
        %parallel_loop3A_630 = vector.broadcast %parallel_loop3A_629 : i32 to vector<16xi32>
        %parallel_loop3A_631 = vector.broadcast %parallel_loop3A_628 : i32 to vector<16xi32>
        %parallel_loop3A_632 = arith.muli %parallel_loop3A_630, %parallel_loop3A_631 : vector<16xi32>
        %parallel_loop3A_633 = tpu.iota {dimensions = array<i32: 0>} : vector<16xi32>
        %parallel_loop3A_634 = arith.constant 0 : i32
        %parallel_loop3A_635 = vector.broadcast %parallel_loop3A_634 : i32 to vector<16xi32>
        %parallel_loop3A_636 = arith.addi %parallel_loop3A_633, %parallel_loop3A_635 : vector<16xi32>
        %parallel_loop3A_637 = arith.index_cast %rem3A_386 : i32 to index
        %parallel_loop3A_638 = arith.index_cast %parallel_loop3A_626 : i32 to index
        %parallel_loop3A_639 = arith.index_cast %parallel_loop3A_628 : i32 to index
        %parallel_loop3A_640 = arith.constant 0 : index
        %parallel_loop3A_641 = tpu.vector_load %arg6[%parallel_loop3A_637, %parallel_loop3A_638, %parallel_loop3A_639, %parallel_loop3A_640] {strides = array<i32>} : memref<2x8x128x32xf32, #tpu.memory_space<vmem>>, vector<16xf32>,
        %parallel_loop3A_642 = arith.constant 0 : i32
        %parallel_loop3A_643 = arith.constant 0 : i32
        %parallel_loop3A_644 = tpu.memref_slice %arg7[%parallel_loop3A_626, %parallel_loop3A_642, %parallel_loop3A_643] : memref<8x32x129xf32, #tpu.memory_space<vmem>> -> memref<1x32x129xf32, #tpu.memory_space<vmem>>
        %parallel_loop3A_645 = tpu.memref_squeeze %parallel_loop3A_644 : memref<1x32x129xf32, #tpu.memory_space<vmem>> -> memref<32x129xf32, #tpu.memory_space<vmem>>
        tpu.vector_store_idx %parallel_loop3A_645[%parallel_loop3A_636, %parallel_loop3A_632], %parallel_loop3A_641 : memref<32x129xf32, #tpu.memory_space<vmem>>[vector<16xi32>, vector<16xi32>], vector<16xf32>,
        %parallel_loop3A_646 = tpu.iota {dimensions = array<i32: 0>} : vector<16xi32>
        %parallel_loop3A_647 = arith.constant 16 : i32
        %parallel_loop3A_648 = vector.broadcast %parallel_loop3A_647 : i32 to vector<16xi32>
        %parallel_loop3A_649 = arith.addi %parallel_loop3A_646, %parallel_loop3A_648 : vector<16xi32>
        %parallel_loop3A_650 = arith.index_cast %rem3A_386 : i32 to index
        %parallel_loop3A_651 = arith.index_cast %parallel_loop3A_626 : i32 to index
        %parallel_loop3A_652 = arith.index_cast %parallel_loop3A_628 : i32 to index
        %parallel_loop3A_653 = arith.constant 16 : index
        %parallel_loop3A_654 = tpu.vector_load %arg6[%parallel_loop3A_650, %parallel_loop3A_651, %parallel_loop3A_652, %parallel_loop3A_653] {strides = array<i32>} : memref<2x8x128x32xf32, #tpu.memory_space<vmem>>, vector<16xf32>,
        %parallel_loop3A_655 = arith.constant 0 : i32
        %parallel_loop3A_656 = arith.constant 0 : i32
        %parallel_loop3A_657 = tpu.memref_slice %arg7[%parallel_loop3A_626, %parallel_loop3A_655, %parallel_loop3A_656] : memref<8x32x129xf32, #tpu.memory_space<vmem>> -> memref<1x32x129xf32, #tpu.memory_space<vmem>>
        %parallel_loop3A_658 = tpu.memref_squeeze %parallel_loop3A_657 : memref<1x32x129xf32, #tpu.memory_space<vmem>> -> memref<32x129xf32, #tpu.memory_space<vmem>>
        tpu.vector_store_idx %parallel_loop3A_658[%parallel_loop3A_649, %parallel_loop3A_632], %parallel_loop3A_654 : memref<32x129xf32, #tpu.memory_space<vmem>>[vector<16xi32>, vector<16xi32>], vector<16xf32>,
      } {sc.loop_unroll_factor = 8 : i64, sc.parallel_access}
      %add3A_520 = arith.addi %mul3A_2, %scan3A_383 : i32
      %jit3A_521 = arith.constant 128 : i32
      %div3A_522 = arith.divsi %add3A_520, %jit3A_521 : i32
      %sign3A_523 = arith.constant 0 : i32
      %sign3A_524 = arith.cmpi sgt, %add3A_520, %sign3A_523 : i32
      %sign3A_525 = arith.extui %sign3A_524 : i1 to i32
      %sign3A_526 = arith.constant 0 : i32
      %sign3A_527 = arith.cmpi slt, %add3A_520, %sign3A_526 : i32
      %sign3A_528 = arith.extui %sign3A_527 : i1 to i32
      %sign3A_529 = arith.subi %sign3A_525, %sign3A_528 : i32
      %sign3A_530 = arith.constant 0 : i32
      %sign3A_531 = arith.cmpi sgt, %jit3A_521, %sign3A_530 : i32
      %sign3A_532 = arith.extui %sign3A_531 : i1 to i32
      %sign3A_533 = arith.constant 0 : i32
      %sign3A_534 = arith.cmpi slt, %jit3A_521, %sign3A_533 : i32
      %sign3A_535 = arith.extui %sign3A_534 : i1 to i32
      %sign3A_536 = arith.subi %sign3A_532, %sign3A_535 : i32
      %ne3A_537 = arith.cmpi ne, %sign3A_529, %sign3A_536 : i32
      %rem3A_538 = arith.remsi %add3A_520, %jit3A_521 : i32
      %ne3A_539 = arith.constant 0 : i32
      %ne3A_540 = arith.cmpi ne, %rem3A_538, %ne3A_539 : i32
      %and3A_541 = arith.andi %ne3A_537, %ne3A_540 : i1
      %sub3A_542 = arith.constant 1 : i32
      %sub3A_543 = arith.subi %div3A_522, %sub3A_542 : i32
      %select_n3A_544 = arith.select %and3A_541, %sub3A_543, %div3A_522 : i32
      %rem3A_545 = arith.constant 128 : i32
      %rem3A_546 = arith.remsi %add3A_520, %rem3A_545 : i32
      %mul3A_547 = arith.constant 8 : i32
      %mul3A_548 = arith.muli %select_n3A_544, %mul3A_547 : i32
      %mul3A_549 = arith.constant 8 : i32
      %mul3A_550 = arith.muli %select_n3A_544, %mul3A_549 : i32
      %mul3A_551 = arith.constant 8 : i32
      %mul3A_552 = arith.muli %select_n3A_544, %mul3A_551 : i32
      %mul3A_553 = arith.constant 8 : i32
      %mul3A_554 = arith.muli %select_n3A_544, %mul3A_553 : i32
      %dma_start3A_555 = arith.constant 0 : i32
      %dma_start3A_556 = arith.constant 0 : i32
      %dma_start3A_557 = arith.constant 0 : i32
      %dma_start3A_558 = arith.constant 0 : i32
      %dma_start3A_559 = tpu.memref_slice %arg7[%dma_start3A_556, %dma_start3A_557, %dma_start3A_558] : memref<8x32x129xf32, #tpu.memory_space<vmem>> -> memref<8x8x128xf32, #tpu.memory_space<vmem>>
      %dma_start3A_560 = arith.constant 0 : i32
      %dma_start3A_561 = arith.constant 0 : i32
      %dma_start3A_562 = tpu.memref_slice %arg4[%mul3A_548, %dma_start3A_555, %rem3A_546, %dma_start3A_560, %dma_start3A_561] : memref<200x4x128x8x128xf32, #tpu.memory_space<hbm>> -> memref<8x1x1x8x128xf32, #tpu.memory_space<hbm>>
      %dma_start3A_563 = tpu.memref_squeeze %dma_start3A_562 : memref<8x1x1x8x128xf32, #tpu.memory_space<hbm>> -> memref<8x8x128xf32, #tpu.memory_space<hbm>>
      %dma_start3A_564 = arith.constant 0 : i32
      %dma_start3A_565 = arith.constant 0 : i32
      %dma_start3A_566 = tpu.memref_slice %arg4[%mul3A_548, %dma_start3A_555, %rem3A_546, %dma_start3A_564, %dma_start3A_565] : memref<200x4x128x8x128xf32, #tpu.memory_space<hbm>> -> memref<8x1x1x8x128xf32, #tpu.memory_space<hbm>>
      %dma_start3A_567 = tpu.memref_squeeze %dma_start3A_566 : memref<8x1x1x8x128xf32, #tpu.memory_space<hbm>> -> memref<8x8x128xf32, #tpu.memory_space<hbm>>
      %dma_start3A_568 = arith.constant 0 : i32
      %dma_start3A_569 = arith.constant 0 : i32
      %dma_start3A_570 = arith.constant 0 : i32
      %dma_start3A_571 = tpu.memref_slice %arg7[%dma_start3A_568, %dma_start3A_569, %dma_start3A_570] : memref<8x32x129xf32, #tpu.memory_space<vmem>> -> memref<8x8x128xf32, #tpu.memory_space<vmem>>
      tpu.enqueue_dma source(%dma_start3A_571 : memref<8x8x128xf32, #tpu.memory_space<vmem>>) target(%dma_start3A_567 : memref<8x8x128xf32, #tpu.memory_space<hbm>>) target_semaphore(%arg10 : memref<!tpu.dma_semaphore, #tpu.memory_space<semaphore_mem>>)
      %dma_start3A_572 = arith.constant 1 : i32
      %dma_start3A_573 = arith.constant 0 : i32
      %dma_start3A_574 = arith.constant 8 : i32
      %dma_start3A_575 = arith.constant 0 : i32
      %dma_start3A_576 = tpu.memref_slice %arg7[%dma_start3A_573, %dma_start3A_574, %dma_start3A_575] : memref<8x32x129xf32, #tpu.memory_space<vmem>> -> memref<8x8x128xf32, #tpu.memory_space<vmem>>
      %dma_start3A_577 = arith.constant 0 : i32
      %dma_start3A_578 = arith.constant 0 : i32
      %dma_start3A_579 = tpu.memref_slice %arg4[%mul3A_550, %dma_start3A_572, %rem3A_546, %dma_start3A_577, %dma_start3A_578] : memref<200x4x128x8x128xf32, #tpu.memory_space<hbm>> -> memref<8x1x1x8x128xf32, #tpu.memory_space<hbm>>
      %dma_start3A_580 = tpu.memref_squeeze %dma_start3A_579 : memref<8x1x1x8x128xf32, #tpu.memory_space<hbm>> -> memref<8x8x128xf32, #tpu.memory_space<hbm>>
      %dma_start3A_581 = arith.constant 0 : i32
      %dma_start3A_582 = arith.constant 0 : i32
      %dma_start3A_583 = tpu.memref_slice %arg4[%mul3A_550, %dma_start3A_572, %rem3A_546, %dma_start3A_581, %dma_start3A_582] : memref<200x4x128x8x128xf32, #tpu.memory_space<hbm>> -> memref<8x1x1x8x128xf32, #tpu.memory_space<hbm>>
      %dma_start3A_584 = tpu.memref_squeeze %dma_start3A_583 : memref<8x1x1x8x128xf32, #tpu.memory_space<hbm>> -> memref<8x8x128xf32, #tpu.memory_space<hbm>>
      %dma_start3A_585 = arith.constant 0 : i32
      %dma_start3A_586 = arith.constant 8 : i32
      %dma_start3A_587 = arith.constant 0 : i32
      %dma_start3A_588 = tpu.memref_slice %arg7[%dma_start3A_585, %dma_start3A_586, %dma_start3A_587] : memref<8x32x129xf32, #tpu.memory_space<vmem>> -> memref<8x8x128xf32, #tpu.memory_space<vmem>>
      tpu.enqueue_dma source(%dma_start3A_588 : memref<8x8x128xf32, #tpu.memory_space<vmem>>) target(%dma_start3A_584 : memref<8x8x128xf32, #tpu.memory_space<hbm>>) target_semaphore(%arg10 : memref<!tpu.dma_semaphore, #tpu.memory_space<semaphore_mem>>)
      %dma_start3A_589 = arith.constant 2 : i32
      %dma_start3A_590 = arith.constant 0 : i32
      %dma_start3A_591 = arith.constant 16 : i32
      %dma_start3A_592 = arith.constant 0 : i32
      %dma_start3A_593 = tpu.memref_slice %arg7[%dma_start3A_590, %dma_start3A_591, %dma_start3A_592] : memref<8x32x129xf32, #tpu.memory_space<vmem>> -> memref<8x8x128xf32, #tpu.memory_space<vmem>>
      %dma_start3A_594 = arith.constant 0 : i32
      %dma_start3A_595 = arith.constant 0 : i32
      %dma_start3A_596 = tpu.memref_slice %arg4[%mul3A_552, %dma_start3A_589, %rem3A_546, %dma_start3A_594, %dma_start3A_595] : memref<200x4x128x8x128xf32, #tpu.memory_space<hbm>> -> memref<8x1x1x8x128xf32, #tpu.memory_space<hbm>>
      %dma_start3A_597 = tpu.memref_squeeze %dma_start3A_596 : memref<8x1x1x8x128xf32, #tpu.memory_space<hbm>> -> memref<8x8x128xf32, #tpu.memory_space<hbm>>
      %dma_start3A_598 = arith.constant 0 : i32
      %dma_start3A_599 = arith.constant 0 : i32
      %dma_start3A_600 = tpu.memref_slice %arg4[%mul3A_552, %dma_start3A_589, %rem3A_546, %dma_start3A_598, %dma_start3A_599] : memref<200x4x128x8x128xf32, #tpu.memory_space<hbm>> -> memref<8x1x1x8x128xf32, #tpu.memory_space<hbm>>
      %dma_start3A_601 = tpu.memref_squeeze %dma_start3A_600 : memref<8x1x1x8x128xf32, #tpu.memory_space<hbm>> -> memref<8x8x128xf32, #tpu.memory_space<hbm>>
      %dma_start3A_602 = arith.constant 0 : i32
      %dma_start3A_603 = arith.constant 16 : i32
      %dma_start3A_604 = arith.constant 0 : i32
      %dma_start3A_605 = tpu.memref_slice %arg7[%dma_start3A_602, %dma_start3A_603, %dma_start3A_604] : memref<8x32x129xf32, #tpu.memory_space<vmem>> -> memref<8x8x128xf32, #tpu.memory_space<vmem>>
      tpu.enqueue_dma source(%dma_start3A_605 : memref<8x8x128xf32, #tpu.memory_space<vmem>>) target(%dma_start3A_601 : memref<8x8x128xf32, #tpu.memory_space<hbm>>) target_semaphore(%arg10 : memref<!tpu.dma_semaphore, #tpu.memory_space<semaphore_mem>>)
      %dma_start3A_606 = arith.constant 3 : i32
      %dma_start3A_607 = arith.constant 0 : i32
      %dma_start3A_608 = arith.constant 24 : i32
      %dma_start3A_609 = arith.constant 0 : i32
      %dma_start3A_610 = tpu.memref_slice %arg7[%dma_start3A_607, %dma_start3A_608, %dma_start3A_609] : memref<8x32x129xf32, #tpu.memory_space<vmem>> -> memref<8x8x128xf32, #tpu.memory_space<vmem>>
      %dma_start3A_611 = arith.constant 0 : i32
      %dma_start3A_612 = arith.constant 0 : i32
      %dma_start3A_613 = tpu.memref_slice %arg4[%mul3A_554, %dma_start3A_606, %rem3A_546, %dma_start3A_611, %dma_start3A_612] : memref<200x4x128x8x128xf32, #tpu.memory_space<hbm>> -> memref<8x1x1x8x128xf32, #tpu.memory_space<hbm>>
      %dma_start3A_614 = tpu.memref_squeeze %dma_start3A_613 : memref<8x1x1x8x128xf32, #tpu.memory_space<hbm>> -> memref<8x8x128xf32, #tpu.memory_space<hbm>>
      %dma_start3A_615 = arith.constant 0 : i32
      %dma_start3A_616 = arith.constant 0 : i32
      %dma_start3A_617 = tpu.memref_slice %arg4[%mul3A_554, %dma_start3A_606, %rem3A_546, %dma_start3A_615, %dma_start3A_616] : memref<200x4x128x8x128xf32, #tpu.memory_space<hbm>> -> memref<8x1x1x8x128xf32, #tpu.memory_space<hbm>>
      %dma_start3A_618 = tpu.memref_squeeze %dma_start3A_617 : memref<8x1x1x8x128xf32, #tpu.memory_space<hbm>> -> memref<8x8x128xf32, #tpu.memory_space<hbm>>
      %dma_start3A_619 = arith.constant 0 : i32
      %dma_start3A_620 = arith.constant 24 : i32
      %dma_start3A_621 = arith.constant 0 : i32
      %dma_start3A_622 = tpu.memref_slice %arg7[%dma_start3A_619, %dma_start3A_620, %dma_start3A_621] : memref<8x32x129xf32, #tpu.memory_space<vmem>> -> memref<8x8x128xf32, #tpu.memory_space<vmem>>
      tpu.enqueue_dma source(%dma_start3A_622 : memref<8x8x128xf32, #tpu.memory_space<vmem>>) target(%dma_start3A_618 : memref<8x8x128xf32, #tpu.memory_space<hbm>>) target_semaphore(%arg10 : memref<!tpu.dma_semaphore, #tpu.memory_space<semaphore_mem>>)
      %scan3A_623 = arith.constant 0 : i32
      scf.yield %scan3A_623 : i32
    }
    %scan3A_278 = arith.constant 100 : i32
    %add3A_279 = arith.constant 99 : i32
    %add3A_280 = arith.addi %mul3A_2, %add3A_279 : i32
    %jit3A_281 = arith.constant 128 : i32
    %div3A_282 = arith.divsi %add3A_280, %jit3A_281 : i32
    %sign3A_283 = arith.constant 0 : i32
    %sign3A_284 = arith.cmpi sgt, %add3A_280, %sign3A_283 : i32
    %sign3A_285 = arith.extui %sign3A_284 : i1 to i32
    %sign3A_286 = arith.constant 0 : i32
    %sign3A_287 = arith.cmpi slt, %add3A_280, %sign3A_286 : i32
    %sign3A_288 = arith.extui %sign3A_287 : i1 to i32
    %sign3A_289 = arith.subi %sign3A_285, %sign3A_288 : i32
    %sign3A_290 = arith.constant 0 : i32
    %sign3A_291 = arith.cmpi sgt, %jit3A_281, %sign3A_290 : i32
    %sign3A_292 = arith.extui %sign3A_291 : i1 to i32
    %sign3A_293 = arith.constant 0 : i32
    %sign3A_294 = arith.cmpi slt, %jit3A_281, %sign3A_293 : i32
    %sign3A_295 = arith.extui %sign3A_294 : i1 to i32
    %sign3A_296 = arith.subi %sign3A_292, %sign3A_295 : i32
    %ne3A_297 = arith.cmpi ne, %sign3A_289, %sign3A_296 : i32
    %rem3A_298 = arith.remsi %add3A_280, %jit3A_281 : i32
    %ne3A_299 = arith.constant 0 : i32
    %ne3A_300 = arith.cmpi ne, %rem3A_298, %ne3A_299 : i32
    %and3A_301 = arith.andi %ne3A_297, %ne3A_300 : i1
    %sub3A_302 = arith.constant 1 : i32
    %sub3A_303 = arith.subi %div3A_282, %sub3A_302 : i32
    %select_n3A_304 = arith.select %and3A_301, %sub3A_303, %div3A_282 : i32
    %rem3A_305 = arith.constant 128 : i32
    %rem3A_306 = arith.remsi %add3A_280, %rem3A_305 : i32
    %mul3A_307 = arith.constant 8 : i32
    %mul3A_308 = arith.muli %select_n3A_304, %mul3A_307 : i32
    %mul3A_309 = arith.constant 8 : i32
    %mul3A_310 = arith.muli %select_n3A_304, %mul3A_309 : i32
    %mul3A_311 = arith.constant 8 : i32
    %mul3A_312 = arith.muli %select_n3A_304, %mul3A_311 : i32
    %mul3A_313 = arith.constant 8 : i32
    %mul3A_314 = arith.muli %select_n3A_304, %mul3A_313 : i32
    %dma_wait3A_315 = arith.constant 0 : i32
    %dma_wait3A_316 = arith.constant 0 : i32
    %dma_wait3A_317 = arith.constant 0 : i32
    %dma_wait3A_318 = arith.constant 0 : i32
    %dma_wait3A_319 = tpu.memref_slice %arg7[%dma_wait3A_316, %dma_wait3A_317, %dma_wait3A_318] : memref<8x32x129xf32, #tpu.memory_space<vmem>> -> memref<8x8x128xf32, #tpu.memory_space<vmem>>
    %dma_wait3A_320 = arith.constant 0 : i32
    %dma_wait3A_321 = arith.constant 0 : i32
    %dma_wait3A_322 = tpu.memref_slice %arg4[%mul3A_308, %dma_wait3A_315, %rem3A_306, %dma_wait3A_320, %dma_wait3A_321] : memref<200x4x128x8x128xf32, #tpu.memory_space<hbm>> -> memref<8x1x1x8x128xf32, #tpu.memory_space<hbm>>
    %dma_wait3A_323 = tpu.memref_squeeze %dma_wait3A_322 : memref<8x1x1x8x128xf32, #tpu.memory_space<hbm>> -> memref<8x8x128xf32, #tpu.memory_space<hbm>>
    %dma_wait3A_324 = arith.constant 0 : i32
    %dma_wait3A_325 = arith.constant 0 : i32
    %dma_wait3A_326 = tpu.memref_slice %arg4[%mul3A_308, %dma_wait3A_315, %rem3A_306, %dma_wait3A_324, %dma_wait3A_325] : memref<200x4x128x8x128xf32, #tpu.memory_space<hbm>> -> memref<8x1x1x8x128xf32, #tpu.memory_space<hbm>>
    %dma_wait3A_327 = tpu.memref_squeeze %dma_wait3A_326 : memref<8x1x1x8x128xf32, #tpu.memory_space<hbm>> -> memref<8x8x128xf32, #tpu.memory_space<hbm>>
    %dma_wait3A_328 = arith.constant 0 : i32
    %dma_wait3A_329 = arith.constant 0 : i32
    %dma_wait3A_330 = arith.constant 0 : i32
    %dma_wait3A_331 = tpu.memref_slice %arg7[%dma_wait3A_328, %dma_wait3A_329, %dma_wait3A_330] : memref<8x32x129xf32, #tpu.memory_space<vmem>> -> memref<8x8x128xf32, #tpu.memory_space<vmem>>
    tpu.wait_dma2 semaphore(%arg10 : memref<!tpu.dma_semaphore, #tpu.memory_space<semaphore_mem>>) src(%dma_wait3A_331 : memref<8x8x128xf32, #tpu.memory_space<vmem>>) dst(%dma_wait3A_327 : memref<8x8x128xf32, #tpu.memory_space<hbm>>)
    %dma_wait3A_332 = arith.constant 1 : i32
    %dma_wait3A_333 = arith.constant 0 : i32
    %dma_wait3A_334 = arith.constant 8 : i32
    %dma_wait3A_335 = arith.constant 0 : i32
    %dma_wait3A_336 = tpu.memref_slice %arg7[%dma_wait3A_333, %dma_wait3A_334, %dma_wait3A_335] : memref<8x32x129xf32, #tpu.memory_space<vmem>> -> memref<8x8x128xf32, #tpu.memory_space<vmem>>
    %dma_wait3A_337 = arith.constant 0 : i32
    %dma_wait3A_338 = arith.constant 0 : i32
    %dma_wait3A_339 = tpu.memref_slice %arg4[%mul3A_310, %dma_wait3A_332, %rem3A_306, %dma_wait3A_337, %dma_wait3A_338] : memref<200x4x128x8x128xf32, #tpu.memory_space<hbm>> -> memref<8x1x1x8x128xf32, #tpu.memory_space<hbm>>
    %dma_wait3A_340 = tpu.memref_squeeze %dma_wait3A_339 : memref<8x1x1x8x128xf32, #tpu.memory_space<hbm>> -> memref<8x8x128xf32, #tpu.memory_space<hbm>>
    %dma_wait3A_341 = arith.constant 0 : i32
    %dma_wait3A_342 = arith.constant 0 : i32
    %dma_wait3A_343 = tpu.memref_slice %arg4[%mul3A_310, %dma_wait3A_332, %rem3A_306, %dma_wait3A_341, %dma_wait3A_342] : memref<200x4x128x8x128xf32, #tpu.memory_space<hbm>> -> memref<8x1x1x8x128xf32, #tpu.memory_space<hbm>>
    %dma_wait3A_344 = tpu.memref_squeeze %dma_wait3A_343 : memref<8x1x1x8x128xf32, #tpu.memory_space<hbm>> -> memref<8x8x128xf32, #tpu.memory_space<hbm>>
    %dma_wait3A_345 = arith.constant 0 : i32
    %dma_wait3A_346 = arith.constant 8 : i32
    %dma_wait3A_347 = arith.constant 0 : i32
    %dma_wait3A_348 = tpu.memref_slice %arg7[%dma_wait3A_345, %dma_wait3A_346, %dma_wait3A_347] : memref<8x32x129xf32, #tpu.memory_space<vmem>> -> memref<8x8x128xf32, #tpu.memory_space<vmem>>
    tpu.wait_dma2 semaphore(%arg10 : memref<!tpu.dma_semaphore, #tpu.memory_space<semaphore_mem>>) src(%dma_wait3A_348 : memref<8x8x128xf32, #tpu.memory_space<vmem>>) dst(%dma_wait3A_344 : memref<8x8x128xf32, #tpu.memory_space<hbm>>)
    %dma_wait3A_349 = arith.constant 2 : i32
    %dma_wait3A_350 = arith.constant 0 : i32
    %dma_wait3A_351 = arith.constant 16 : i32
    %dma_wait3A_352 = arith.constant 0 : i32
    %dma_wait3A_353 = tpu.memref_slice %arg7[%dma_wait3A_350, %dma_wait3A_351, %dma_wait3A_352] : memref<8x32x129xf32, #tpu.memory_space<vmem>> -> memref<8x8x128xf32, #tpu.memory_space<vmem>>
    %dma_wait3A_354 = arith.constant 0 : i32
    %dma_wait3A_355 = arith.constant 0 : i32
    %dma_wait3A_356 = tpu.memref_slice %arg4[%mul3A_312, %dma_wait3A_349, %rem3A_306, %dma_wait3A_354, %dma_wait3A_355] : memref<200x4x128x8x128xf32, #tpu.memory_space<hbm>> -> memref<8x1x1x8x128xf32, #tpu.memory_space<hbm>>
    %dma_wait3A_357 = tpu.memref_squeeze %dma_wait3A_356 : memref<8x1x1x8x128xf32, #tpu.memory_space<hbm>> -> memref<8x8x128xf32, #tpu.memory_space<hbm>>
    %dma_wait3A_358 = arith.constant 0 : i32
    %dma_wait3A_359 = arith.constant 0 : i32
    %dma_wait3A_360 = tpu.memref_slice %arg4[%mul3A_312, %dma_wait3A_349, %rem3A_306, %dma_wait3A_358, %dma_wait3A_359] : memref<200x4x128x8x128xf32, #tpu.memory_space<hbm>> -> memref<8x1x1x8x128xf32, #tpu.memory_space<hbm>>
    %dma_wait3A_361 = tpu.memref_squeeze %dma_wait3A_360 : memref<8x1x1x8x128xf32, #tpu.memory_space<hbm>> -> memref<8x8x128xf32, #tpu.memory_space<hbm>>
    %dma_wait3A_362 = arith.constant 0 : i32
    %dma_wait3A_363 = arith.constant 16 : i32
    %dma_wait3A_364 = arith.constant 0 : i32
    %dma_wait3A_365 = tpu.memref_slice %arg7[%dma_wait3A_362, %dma_wait3A_363, %dma_wait3A_364] : memref<8x32x129xf32, #tpu.memory_space<vmem>> -> memref<8x8x128xf32, #tpu.memory_space<vmem>>
    tpu.wait_dma2 semaphore(%arg10 : memref<!tpu.dma_semaphore, #tpu.memory_space<semaphore_mem>>) src(%dma_wait3A_365 : memref<8x8x128xf32, #tpu.memory_space<vmem>>) dst(%dma_wait3A_361 : memref<8x8x128xf32, #tpu.memory_space<hbm>>)
    %dma_wait3A_366 = arith.constant 3 : i32
    %dma_wait3A_367 = arith.constant 0 : i32
    %dma_wait3A_368 = arith.constant 24 : i32
    %dma_wait3A_369 = arith.constant 0 : i32
    %dma_wait3A_370 = tpu.memref_slice %arg7[%dma_wait3A_367, %dma_wait3A_368, %dma_wait3A_369] : memref<8x32x129xf32, #tpu.memory_space<vmem>> -> memref<8x8x128xf32, #tpu.memory_space<vmem>>
    %dma_wait3A_371 = arith.constant 0 : i32
    %dma_wait3A_372 = arith.constant 0 : i32
    %dma_wait3A_373 = tpu.memref_slice %arg4[%mul3A_314, %dma_wait3A_366, %rem3A_306, %dma_wait3A_371, %dma_wait3A_372] : memref<200x4x128x8x128xf32, #tpu.memory_space<hbm>> -> memref<8x1x1x8x128xf32, #tpu.memory_space<hbm>>
    %dma_wait3A_374 = tpu.memref_squeeze %dma_wait3A_373 : memref<8x1x1x8x128xf32, #tpu.memory_space<hbm>> -> memref<8x8x128xf32, #tpu.memory_space<hbm>>
    %dma_wait3A_375 = arith.constant 0 : i32
    %dma_wait3A_376 = arith.constant 0 : i32
    %dma_wait3A_377 = tpu.memref_slice %arg4[%mul3A_314, %dma_wait3A_366, %rem3A_306, %dma_wait3A_375, %dma_wait3A_376] : memref<200x4x128x8x128xf32, #tpu.memory_space<hbm>> -> memref<8x1x1x8x128xf32, #tpu.memory_space<hbm>>
    %dma_wait3A_378 = tpu.memref_squeeze %dma_wait3A_377 : memref<8x1x1x8x128xf32, #tpu.memory_space<hbm>> -> memref<8x8x128xf32, #tpu.memory_space<hbm>>
    %dma_wait3A_379 = arith.constant 0 : i32
    %dma_wait3A_380 = arith.constant 24 : i32
    %dma_wait3A_381 = arith.constant 0 : i32
    %dma_wait3A_382 = tpu.memref_slice %arg7[%dma_wait3A_379, %dma_wait3A_380, %dma_wait3A_381] : memref<8x32x129xf32, #tpu.memory_space<vmem>> -> memref<8x8x128xf32, #tpu.memory_space<vmem>>
    tpu.wait_dma2 semaphore(%arg10 : memref<!tpu.dma_semaphore, #tpu.memory_space<semaphore_mem>>) src(%dma_wait3A_382 : memref<8x8x128xf32, #tpu.memory_space<vmem>>) dst(%dma_wait3A_378 : memref<8x8x128xf32, #tpu.memory_space<hbm>>)
    return
  }
}

</mosaic_0001>

<sc_bundles>
// kernel: kernel.3.cloned.1.call-start
scs
__scs_entry_jumppad:
0x0: {  	(pc) =	sbr.rel $0x88, $3  }
0x1: {  	(tag) =	ssettag $0x0;
	lr =	simm.s32 $0x1  }
0x2: {  	[smem:$0x3F9F] =	sst lr;
	_ =	strace $0xD0000000  }
0x3: {  	_ = 	snop  }
0x4: {  	_ = 	snop  }
0x5: {  	_ = 	snop  }
0x6: {  	_ = 	snop  }
0x7: {  	_ = 	snop  }
__scs_overlays_trampoline_lowered:
0x8: {  	[smem:$0x3FAE] =	sst s0  }
0x9: {  	[smem:$0x3FAF] =	sst s1  }
0xa: {  	[smem:$0x3FB0] =	sst s2  }
0xb: {  	[smem:$0x3FB1] =	sst s3  }
0xc: {  	[smem:$0x3FB2] =	sst s4  }
0xd: {  	[smem:$0x3FB3] =	sst s5  }
0xe: {  	[smem:$0x3FB4] =	sst s6  }
0xf: {  	[smem:$0x3FB5] =	sst s7  }
0x10: {  	[smem:$0x3FB6] =	sst s8  }
0x11: {  	[smem:$0x3FB7] =	sst s9;
	s0 =	simm.s32 @!p0 $0x0  }
0x12: {  	s1 =	sld [smem:$0x3F9D];
	s0 =	simm.s32 @p0 $0x1  }
0x13: {  	[smem:$0x3FB8] =	sst s0;
	s0 =	simm.s32 @!p1 $0x0  }
0x14: {  	s2 =	sld [smem:$0x3F9C];
	s0 =	simm.s32 @p1 $0x1  }
0x15: {  	[smem:$0x3FB9] =	sst s0;
	s0 =	simm.s32 @!p2 $0x0  }
0x16: {  	s3 =	sld [smem:$0x3FDB];
	s0 =	simm.s32 @p2 $0x1  }
0x17: {  	s4 =	simm.s32 $0x1BF5;
	[smem:$0x3FBB] =	sst s0  }
0x18: {  	s0 =	sld [smem:$0x3F9E];
	_ =	swait.ge [sflag:s4], $0x0  }
0x19: {  	s7 =	sld [smem:$0x3F9F]  }
0x1a: {  	s8 =	sadd.s32 $0xFFFFE003, lr  }
0x1b: {  	s9 =	sadd.s32 $0xFFFFFEF7, lr;
	s5 =	simm.s32 $0xFFFFFFFF;
	p2 =	slt.u32 s8, $0xFFFFF086  }
0x1c: {  	p1 =	slt.u32 s9, $0xF7A;
	s5 =	simm.s32 @!p2 $0x0  }
0x1d: {  	s5 =	simm.s32 @p1 $0x1;
	p0 =	seq.s32 s7, s2  }
0x1e: {  	s7 =	smul.u32 @!p0 $0xF7A, s2;
	p2 =	seq.s32 @!p0 s5, $0x0  }
0x1f: {  	s9 =	smul.u32 $0xF7A, s1;
	s8 =	simm.s32 @!p0 $0x1BF5;
	p2 =	por !p2, p0  }
0x20: {  	[sflag:s8] =	ssyncset.s32 @!p0 $0xFFFFF086;
	s6 =	sadd.s32 @!p0 s3, s7;
	s7 =	simm.s32 @!p0 $0x108  }
0x21: {  	s3 =	sadd.s32 s3, s9;
	s6 =	sadd.s32 @!p0 $0x88, s6;
	s7 =	simm.s32 @p2 $0x1082  }
0x22: {  	[simem:s7], [sflag:s8] =	dma.local @!p0 [hbm:s6], $0xF7A  }
0x23: {  	s9 =	sor.u32 $0xD0000000, s2;
	s6 =	simm.s32 $0x108;
	_ =	swait.ge @!p0 [sflag:s8], $0x0  }
0x24: {  	s3 =	sadd.s32 $0x88, s3;
	s6 =	simm.s32 @!p1 $0x1082;
	[sflag:s4] =	ssyncset.s32 $0xFFFFF086  }
0x25: {  	[simem:s6], [sflag:s4] =	dma.local [hbm:s3], $0xF7A  }
0x26: {  	[smem:$0x3F9F] =	sst s1;
	(tag) =	ssettag s2;
	_ =	strace s9  }
0x27: {  	s1 =	sld [smem:$0x3FAF]  }
0x28: {  	s2 =	sld [smem:$0x3FB0]  }
0x29: {  	s4 =	sld [smem:$0x3FB2]  }
0x2a: {  	p0 =	seq.s32 s5, $0x0;
	s5 =	sld [smem:$0x3FB3]  }
0x2b: {  	s6 =	sld [smem:$0x3FB4]  }
0x2c: {  	s7 =	sld [smem:$0x3FB5]  }
0x2d: {  	s3 =	simm.s32 $0x108;
	s8 =	sld [smem:$0x3FB6]  }
0x2e: {  	s3 =	simm.s32 @!p0 $0x1082;
	s9 =	sld [smem:$0x3FB7]  }
0x2f: {  	lr =	sadd.s32 s0, s3;
	s0 =	sld [smem:$0x3FAE]  }
0x30: {  	s3 =	sld [smem:$0x3FB1]  }
0x31: {  	[smem:$0x3FBA] =	sst s10  }
0x32: {  	s10 =	sld [smem:$0x3FB8];
	_ =	sdelay $0x3  }
0x33: {  	p0 =	seq.s32 s10, $0x1;
	s10 =	sld [smem:$0x3FBA];
	_ =	sdelay $0x3  }
0x34: {  	[smem:$0x3FBA] =	sst s10  }
0x35: {  	s10 =	sld [smem:$0x3FB9];
	_ =	sdelay $0x3  }
0x36: {  	p1 =	seq.s32 s10, $0x1;
	s10 =	sld [smem:$0x3FBA];
	_ =	sdelay $0x3  }
0x37: {  	[smem:$0x3FBA] =	sst s10  }
0x38: {  	s10 =	sld [smem:$0x3FBB]  }
0x39: {  	_ = 	snop;
	(pc) =	sbr.ind lr, $3  }
0x3a: {  	_ = 	snop  }
0x3b: {  	_ = 	snop  }
0x3c: {  	p2 =	seq.s32 s10, $0x1;
	s10 =	sld [smem:$0x3FBA]  }
0x3d: {  	_ =	shalt  }
0x3e: {  	_ =	shalt  }
0x3f: {  	_ =	shalt  }
0x40: {  	_ =	shalt  }
0x41: {  	_ =	shalt  }
0x42: {  	_ =	shalt  }
0x43: {  	_ =	shalt  }
0x44: {  	_ =	shalt  }
0x45: {  	_ =	shalt  }
0x46: {  	_ =	shalt  }
0x47: {  	_ =	shalt  }
0x48: {  	_ =	shalt  }
0x49: {  	_ =	shalt  }
0x4a: {  	_ =	shalt  }
0x4b: {  	_ =	shalt  }
0x4c: {  	_ =	shalt  }
0x4d: {  	_ =	shalt  }
0x4e: {  	_ =	shalt  }
0x4f: {  	_ =	shalt  }
0x50: {  	_ =	shalt  }
0x51: {  	_ =	shalt  }
0x52: {  	_ =	shalt  }
0x53: {  	_ =	shalt  }
0x54: {  	_ =	shalt  }
0x55: {  	_ =	shalt  }
0x56: {  	_ =	shalt  }
0x57: {  	_ =	shalt  }
0x58: {  	_ =	shalt  }
0x59: {  	_ =	shalt  }
0x5a: {  	_ =	shalt  }
0x5b: {  	_ =	shalt  }
0x5c: {  	_ =	shalt  }
0x5d: {  	_ =	shalt  }
0x5e: {  	_ =	shalt  }
0x5f: {  	_ =	shalt  }
0x60: {  	_ =	shalt  }
0x61: {  	_ =	shalt  }
0x62: {  	_ =	shalt  }
0x63: {  	_ =	shalt  }
0x64: {  	_ =	shalt  }
0x65: {  	_ =	shalt  }
0x66: {  	_ =	shalt  }
0x67: {  	_ =	shalt  }
0x68: {  	_ =	shalt  }
0x69: {  	_ =	shalt  }
0x6a: {  	_ =	shalt  }
0x6b: {  	_ =	shalt  }
0x6c: {  	_ =	shalt  }
0x6d: {  	_ =	shalt  }
0x6e: {  	_ =	shalt  }
0x6f: {  	_ =	shalt  }
0x70: {  	_ =	shalt  }
0x71: {  	_ =	shalt  }
0x72: {  	_ =	shalt  }
0x73: {  	_ =	shalt  }
0x74: {  	_ =	shalt  }
0x75: {  	_ =	shalt  }
0x76: {  	_ =	shalt  }
0x77: {  	_ =	shalt  }
0x78: {  	_ =	shalt  }
0x79: {  	_ =	shalt  }
0x7a: {  	_ =	shalt  }
0x7b: {  	_ =	shalt  }
0x7c: {  	_ =	shalt  }
0x7d: {  	_ =	shalt  }
0x7e: {  	_ =	shalt  }
0x7f: {  	_ =	shalt  }
0x80: {  	_ =	shalt  }
0x81: {  	_ =	shalt  }
0x82: {  	_ =	shalt  }
0x83: {  	_ =	shalt  }
0x84: {  	_ =	shalt  }
0x85: {  	_ =	shalt  }
0x86: {  	_ =	shalt  }
0x87: {  	_ =	shalt  }
.Lfunc_end0:
.L_simem_size_0:
called_computation_lowered:
.L_overlay_start_0:
0x88: {  	s2 =	sld [smem:$0x3FD9]  }
0x89: {  	s3 =	sld [smem:$0x3FFE];
	_ =	sdelay $0x1  }
0x8a: {  	s1 =	srdreg.scid  }
0x8b: {  	s0 =	sand.u32 $0x1, s1  }
0x8c: {  	s17 =	sshll.u32 s0, $0xA;
	s2 =	sadd.s32 s3, s2  }
0x8d: {  	s2 =	sadd.s32 s2, s17  }
0x8e: {  	[smem:$0x3FC6] =	sst s2  }
0x8f: {  	_ = 	snop  }
0x90: {  	s2 =	sld [smem:$0x3FC9]  }
0x91: {  	s18 =	sld [smem:$0x3FD0];
	(tm) =	ssettm $0x1  }
0x92: {  	s4 =	sld [smem:$0x3FFB];
	_ =	sdelay $0x3  }
0x93: {  	_ =	strace s4  }
0x94: {  	s4 =	sld [smem:$0x3FFC];
	_ =	sdelay $0x3  }
0x95: {  	_ =	strace s4  }
0x96: {  	s4 =	sld [smem:$0x3FFD];
	_ =	sdelay $0x3  }
0x97: {  	_ =	strace s4  }
0x98: {  	_ =	strace $0x8FFFFFFF  }
0x99: {  	s19 =	sld [smem:$0x3FDB];
	_ =	sdelay $0x1  }
0x9a: {  	s5 =	simm.s32 $_scs_section_size  }
0x9b: {  	s6 =	simm.s32 $_size__tile_overlayer_lowered;
	s7 =	simm.s32 $_tile_overlayer_lowered  }
0x9c: {  	s22 =	simm.s32 $0x1BFF;
	s21 =	sshll.u32 s7, $0x1;
	s4 =	sadd.s32 s5, s19  }
0x9d: {  	s8 =	simm.s32 $0x0;
	s20 =	sshll.u32 s6, $0x1;
	s6 =	sadd.s32 s21, s4  }
0x9e: {  	[timem:s8], [sflag:s22] =	dma.local [hbm:s6], s20  }
0x9f: {  	_ =	swait.ge [sflag:s22], s20  }
0xa0: {  	s5 =	ssub.s32 $0x0, s20;
	[sflag:s22] =	ssyncset.done $0x0  }
0xa1: {  	[sflag:s22] =	ssyncadd.s32 s5;
	_ =	sdelay $0x1  }
0xa2: {  	s23 =	simm.s32 $0x1B8B  }
0xa3: {  	_ =	swait.ge [sflag:s23], $0x1  }
0xa4: {  	[sflag:s23] =	ssyncset.done $0x0  }
0xa5: {  	s25 =	simm.s32 $0x1B8E;
	s24 =	sld [smem:$0x3FFE];
	[sflag:s23] =	ssyncadd.s32 $0xFFFFFFFF  }
0xa6: {  	s26 =	simm.s32 $execute0_lowered;
	[smem:$0x3FD2] =	sst s25  }
0xa7: {  	s6 =	sshll.u32 s26, $0x1;
	_ =	strace $0x80000046;
	[dreg:$0x1] =	wrdreg $0xFFFFFFFF  }
0xa8: {  	s28 =	simm.s32 $_size_execute0_lowered;
	s4 =	sadd.s32 s4, s6;
	[dreg:$0x0] =	wrdreg $0x0  }
0xa9: {  	s6 =	sshll.u32 s28, $0x1;
	[dreg:$0x2] =	wrdreg s4  }
0xaa: {  	[dreg:$0x3] =	wrdreg s6  }
0xab: {  	[dreg:$0x4] =	wrdreg $0xC0  }
0xac: {  	_ =	task [dreg:s8], $0x5FFFF  }
0xad: {  	[dreg:$0x1] =	wrdreg $0xFFFFFFFF  }
0xae: {  	[dreg:$0x0] =	wrdreg $0x60  }
0xaf: {  	[dreg:$0x2] =	wrdreg s2  }
0xb0: {  	[dreg:$0x3] =	wrdreg s24  }
0xb1: {  	[dreg:$0x4] =	wrdreg s18  }
0xb2: {  	[dreg:$0x5] =	wrdreg $0x9  }
0xb3: {  	_ =	task.clear_ibuf [dreg:s8], $0x6FFFF;
	_ =	strace $0x90000046  }
0xb4: {  	s29 =	simm.s32 $0x9;
	_ =	strace $0x80000048  }
0xb5: {  	_ =	swait.ge [sflag:s29], $0x1  }
0xb6: {  	[sflag:s29] =	ssyncadd.s32 $0xFFFFFFFF  }
0xb7: {  	_ =	strace $0x90000048  }
0xb8: {  	_ =	sfence  }
0xb9: {  	s30 =	sld [smem:$0x0];
	_ =	sdelay $0x2  }
0xba: {  	s31 =	sshll.u32 s1, $0xD;
	s1 =	sshrl.u32 s1, $0x2  }
0xbb: {  	s3 =	sand.u32 $0x4000, s31;
	s1 =	sadd.s32 s1, s30  }
0xbc: {  	s0 =	sor.u32 s3, s0;
	s1 =	sshll.u32 s1, $0x11  }
0xbd: {  	s0 =	sor.u32 s1, s0  }
0xbe: {  	s0 =	sadd.s32 $0x8F2B, s0  }
0xbf: {  	[sflag:s0] =	ssyncadd.remote.s32 $0x1  }
0xc0: {  	_ =	sfence.sel $0xFFFF  }
0xc1: {  	[dreg:$0x0] =	wrdreg $0xFFFFFFFF;
	(pc) =	sbr.abs _section_cstart, $3  }
0xc2: {  	[dreg:$0x1] =	wrdreg $0xFFFFFFFF  }
0xc3: {  	_ =	task.clear_ibuf [dreg:s8], $0x2FFFF;
	_ =	strace $0x9FFFFFFF  }
0xc4: {  	(tm) =	ssettm $0x7FFFFFFF  }
0xc5: {  	_ =	shalt  }
tec
execute0_lowered:
.L_overlay_start_1:
0x0: {  	(tag) =	ssettag $0x1  }
0x1: {  	s1 =	rddreg [dreg:$0x0]  }
0x2: {  	s0 =	rddreg [dreg:$0x1];
	s2 =	srdreg.scid  }
0x3: {  	s4 =	stileid.u32;
	s3 =	rddreg [dreg:$0x2]  }
0x4: {  	v0 =	vlaneseq.u32;
	s2 =	sand.u32 $0x1, s2;
	s5 =	sshll.u32 s4, $0x1;
	s4 =	simm.s32 $0x0  }
0x5: {  	v1 =	vimm.s32 $0x0;
	vm0 =	vcmask $0x300;
	s7 =	sadd.s32 $0x400, s0;
	s10 =	sadd.s32 $0x4000, s3;
	v0 =	vmul.u32 $0x88, v0;
	s5 =	sor.u32 s2, s5  }
0x6: {  	s11 =	sadd.s32 $0x8000, s3;
	v1 =	vsel vm0, $0x3, v1;
	s2 =	ssub.s32 $0x2, s2;
	s6 =	smul.u32 $0x3200, s5  }
0x7: {  	s12 =	sadd.s32 $0xC000, s3;
	[smem:$0x7FF] =	sst s4;
	s8 =	sshrl.u32 s2, $0x1;
	v2 =	vadd.s32 $0x880, v0;
	v3 =	vor.u32 $0x1, v0;
	v4 =	vadd.s32 $0x881, v0  }
0x8: {  	_ =	strace $0x80000047;
	v5 =	vor.u32 $0x2, v0;
	v6 =	vadd.s32 $0x882, v0;
	v7 =	vor.u32 $0x3, v0;
	s30 =	ssub.s32 s2, s8;
	s6 =	sadd.s32 s1, s6  }
0x9: {  	s5 =	smul.u32 $0x64, s5;
	v8 =	vadd.s32 $0x883, v0;
	v9 =	vor.u32 $0x4, v0;
	v10 =	vadd.s32 $0x884, v0;
	s0 =	smax.u32 s30, $0x1;
	[dreg:$0x4] =	wrdreg s6  }
0xa: {  	v11 =	vor.u32 $0x5, v0;
	v12 =	vadd.s32 $0x885, v0;
	v13 =	vor.u32 $0x6, v0;
	s2 =	simm.s32 $0x5;
	s31 =	sadd.s32 $0x80, s6;
	[dreg:$0x6] =	wrdreg s0  }
0xb: {  	v14 =	vadd.s32 $0x886, v0;
	v15 =	vor.u32 $0x7, v0;
	v16 =	vadd.s32 $0x887, v0;
	s9 =	sor.u32 $0x2, s5;
	s6 =	simm.s32 $0x0;
	[dreg:$0x5] =	wrdreg s31  }
.LBB2_1:
0xc: {  	[dreg:$0x7] =	wrdreg s6  }
0xd: {  	s0 =	rddreg [dreg:$0x4];
	s14 =	simm.s32 $0x1  }
0xe: {  	[tilespmem:s4], [sflag:$0x1] =	stream.linear.gather [hbm4b:s0+s4], $0x400, $0x38;
	[tilespmem:$0x19000] =	vst v63  }
0xf: {  	_ =	swait.ge [sflag:s14], $0x400  }
0x10: {  	[sflag:s14] =	ssyncset.done $0x0  }
0x11: {  	s15 =	simm.s32 $0x80;
	s16 =	simm.s32 $0x800;
	[sflag:s14] =	ssyncadd.s32 $0xFFFFFC00  }
0x12: {  	[tilespmem:s16], [sflag:$0x3] =	stream.indirect.gather [hbm4b:s7+s15], $0x20, s4, s15, $0xb8;
	[tilespmem:$0x19000] =	vst v63  }
0x13: {  	s17 =	simm.s32 $0x1800  }
0x14: {  	[tilespmem:s17], [sflag:$0x3] =	stream.indirect.gather [hbm4b:s7+s15], $0x20, s15, s15, $0xb8;
	[tilespmem:$0x19000] =	vst v63  }
0x15: {  	s18 =	simm.s32 $0x100;
	s8 =	simm.s32 $0x2800  }
0x16: {  	[tilespmem:s8], [sflag:$0x3] =	stream.indirect.gather [hbm4b:s7+s15], $0x20, s18, s15, $0xb8;
	[tilespmem:$0x19000] =	vst v63  }
0x17: {  	s19 =	simm.s32 $0x180;
	s20 =	simm.s32 $0x3800  }
0x18: {  	[tilespmem:s20], [sflag:$0x3] =	stream.indirect.gather [hbm4b:s7+s15], $0x20, s19, s15, $0xb8;
	[tilespmem:$0x19000] =	vst v63  }
0x19: {  	s21 =	simm.s32 $0x200;
	s22 =	simm.s32 $0x4800  }
0x1a: {  	[tilespmem:s22], [sflag:$0x3] =	stream.indirect.gather [hbm4b:s7+s15], $0x20, s21, s15, $0xb8;
	[tilespmem:$0x19000] =	vst v63  }
0x1b: {  	s23 =	simm.s32 $0x280;
	s24 =	simm.s32 $0x5800  }
0x1c: {  	[tilespmem:s24], [sflag:$0x3] =	stream.indirect.gather [hbm4b:s7+s15], $0x20, s23, s15, $0xb8;
	[tilespmem:$0x19000] =	vst v63  }
0x1d: {  	s25 =	simm.s32 $0x300;
	s26 =	simm.s32 $0x6800  }
0x1e: {  	[tilespmem:s26], [sflag:$0x3] =	stream.indirect.gather [hbm4b:s7+s15], $0x20, s25, s15, $0xb8;
	[tilespmem:$0x19000] =	vst v63  }
0x1f: {  	s28 =	simm.s32 $0x380;
	s29 =	simm.s32 $0x7800  }
0x20: {  	[tilespmem:s29], [sflag:$0x3] =	stream.indirect.gather [hbm4b:s7+s15], $0x20, s28, s15, $0xb8;
	[tilespmem:$0x19000] =	vst v63  }
0x21: {  	s31 =	simm.s32 $0x400;
	s30 =	rddreg [dreg:$0x5];
	s16 =	simm.s32 $0x0  }
0x22: {  	[tilespmem:s31], [sflag:$0x2] =	stream.linear.gather [hbm4b:s30+s4], $0x400, $0x38;
	[tilespmem:$0x19000] =	vst v63  }
.LBB2_3:
0x23: {  	s17 =	sadd.s32 $0x1, s16;
	p0 =	seq.s32 s16, $0x63  }
0x24: {  	s18 =	sand.u32 @!p0 $0x1, s17  }
0x25: {  	s19 =	sadd.s32 @!p0 $0x1, s18  }
0x26: {  	s23 =	simm.s32 @!p0 $0x80;
	_ =	swait.ge @!p0 [sflag:s19], $0x400  }
0x27: {  	s20 =	sshll.u32 @!p0 s18, $0xF;
	s21 =	sshll.u32 @!p0 s18, $0xA;
	[sflag:s19] =	ssyncset.done @!p0 $0x0  }
0x28: {  	s22 =	sadd.s32 @!p0 $0x3, s18;
	[sflag:s19] =	ssyncadd.s32 @!p0 $0xFFFFFC00;
	s19 =	sor.u32 @!p0 $0x800, s20  }
0x29: {  	[tilespmem:s19], [sflag:s22] =	stream.indirect.gather @!p0 [hbm4b:s7+s23], $0x20, s21, s23, $0xb8;
	[tilespmem:$0x19000] =	vst v63  }
0x2a: {  	s18 =	sor.u32 @!p0 $0x1800, s20;
	s19 =	sor.u32 @!p0 $0x80, s21  }
0x2b: {  	[tilespmem:s18], [sflag:s22] =	stream.indirect.gather @!p0 [hbm4b:s7+s23], $0x20, s19, s23, $0xb8;
	[tilespmem:$0x19000] =	vst v63  }
0x2c: {  	s18 =	sor.u32 @!p0 $0x2800, s20;
	s19 =	sor.u32 @!p0 $0x100, s21  }
0x2d: {  	[tilespmem:s18], [sflag:s22] =	stream.indirect.gather @!p0 [hbm4b:s7+s23], $0x20, s19, s23, $0xb8;
	[tilespmem:$0x19000] =	vst v63  }
0x2e: {  	s18 =	sor.u32 @!p0 $0x3800, s20;
	s19 =	sor.u32 @!p0 $0x180, s21  }
0x2f: {  	[tilespmem:s18], [sflag:s22] =	stream.indirect.gather @!p0 [hbm4b:s7+s23], $0x20, s19, s23, $0xb8;
	[tilespmem:$0x19000] =	vst v63  }
0x30: {  	s18 =	sor.u32 @!p0 $0x4800, s20;
	s19 =	sor.u32 @!p0 $0x200, s21  }
0x31: {  	[tilespmem:s18], [sflag:s22] =	stream.indirect.gather @!p0 [hbm4b:s7+s23], $0x20, s19, s23, $0xb8;
	[tilespmem:$0x19000] =	vst v63  }
0x32: {  	s18 =	sor.u32 @!p0 $0x5800, s20;
	s19 =	sor.u32 @!p0 $0x280, s21  }
0x33: {  	[tilespmem:s18], [sflag:s22] =	stream.indirect.gather @!p0 [hbm4b:s7+s23], $0x20, s19, s23, $0xb8;
	[tilespmem:$0x19000] =	vst v63  }
0x34: {  	s18 =	sor.u32 @!p0 $0x6800, s20;
	s19 =	sor.u32 @!p0 $0x300, s21  }
0x35: {  	[tilespmem:s18], [sflag:s22] =	stream.indirect.gather @!p0 [hbm4b:s7+s23], $0x20, s19, s23, $0xb8;
	[tilespmem:$0x19000] =	vst v63  }
0x36: {  	s18 =	sand.u32 $0x1, s16  }
0x37: {  	s19 =	sor.u32 @!p0 $0x7800, s20;
	s20 =	sor.u32 @!p0 $0x380, s21;
	s15 =	sadd.s32 $0x3, s18  }
0x38: {  	[tilespmem:s19], [sflag:s22] =	stream.indirect.gather @!p0 [hbm4b:s7+s23], $0x20, s20, s23, $0xb8;
	[tilespmem:$0x19000] =	vst v63  }
0x39: {  	_ =	swait.ge [sflag:s15], $0x1000  }
0x3a: {  	[sflag:s15] =	ssyncset.done $0x0  }
0x3b: {  	[sflag:s15] =	ssyncadd.s32 $0xFFFFF000  }
0x3c: {  	_ =	swait.ge [sflag:s15], $0x1000  }
0x3d: {  	[sflag:s15] =	ssyncset.done $0x0  }
0x3e: {  	[sflag:s15] =	ssyncadd.s32 $0xFFFFF000  }
0x3f: {  	_ =	swait.ge [sflag:s15], $0x1000  }
0x40: {  	[sflag:s15] =	ssyncset.done $0x0  }
0x41: {  	[sflag:s15] =	ssyncadd.s32 $0xFFFFF000  }
0x42: {  	_ =	swait.ge [sflag:s15], $0x1000  }
0x43: {  	[sflag:s15] =	ssyncset.done $0x0  }
0x44: {  	[sflag:s15] =	ssyncadd.s32 $0xFFFFF000  }
0x45: {  	_ =	swait.ge [sflag:s15], $0x1000  }
0x46: {  	[sflag:s15] =	ssyncset.done $0x0  }
0x47: {  	[sflag:s15] =	ssyncadd.s32 $0xFFFFF000  }
0x48: {  	_ =	swait.ge [sflag:s15], $0x1000  }
0x49: {  	[sflag:s15] =	ssyncset.done $0x0  }
0x4a: {  	[sflag:s15] =	ssyncadd.s32 $0xFFFFF000  }
0x4b: {  	_ =	swait.ge [sflag:s15], $0x1000  }
0x4c: {  	p0 =	sgt.u32 s16, $0x61;
	[sflag:s15] =	ssyncset.done $0x0  }
0x4d: {  	s20 =	sadd.s32 @!p0 s16, s9;
	s21 =	sadd.s32 @!p0 $0x1, s18;
	[sflag:s15] =	ssyncadd.s32 $0xFFFFF000  }
0x4e: {  	s22 =	simm.s32 @!p0 $0x0;
	s20 =	sshll.u32 @!p0 s20, $0x7;
	_ =	swait.ge [sflag:s15], $0x1000  }
0x4f: {  	p1 =	seq.s32 @!p0 s16, $0x0;
	s19 =	sand.u32 @!p0 $0xFFFFF80, s20;
	[sflag:s15] =	ssyncset.done $0x0  }
0x50: {  	s20 =	sshll.u32 @!p0 s18, $0xA;
	s19 =	sadd.s32 @!p0 s1, s19;
	[sflag:s15] =	ssyncadd.s32 $0xFFFFF000  }
0x51: {  	[tilespmem:s20], [sflag:s21] =	stream.linear.gather @!p0 [hbm4b:s19+s22], $0x400, $0x38;
	[tilespmem:$0x19000] =	vst v63  }
0x52: {  	p0 =	por p0, !p1  }
0x53: {  	_ =	swait.ge @p0 [sflag:s2], $0x2000  }
0x54: {  	s20 =	simm.s32 $0x0;
	[sflag:s2] =	ssyncset.done @p0 $0x0  }
0x55: {  	s18 =	sshll.u32 s18, $0xF;
	s19 =	sand.u32 $0x78, s20;
	[sflag:s2] =	ssyncadd.s32 @p0 $0xFFFFE000  }
0x56: {  	v18 =	vmov s19;
	s21 =	sor.u32 $0x1, s19;
	s29 =	sor.u32 $0x2, s19;
	_ =	swait.ge @p0 [sflag:s2], $0x2000  }
0x57: {  	v17 =	vmov s18;
	s30 =	sor.u32 $0x6, s19;
	s24 =	sor.u32 $0x4, s19;
	v18 =	vshrl.u32 v18, $0x3;
	[sflag:s2] =	ssyncset.done @p0 $0x0  }
0x58: {  	s25 =	sor.u32 $0x5, s19;
	s0 =	sor.u32 $0x3, s19;
	v19 =	vmov s21;
	v20 =	vmov s29;
	v21 =	vmov s24;
	[sflag:s2] =	ssyncadd.s32 @p0 $0xFFFFE000  }
0x59: {  	v22 =	vmov s30;
	v23 =	vmov s25;
	v24 =	vmov s0;
	_ =	swait.ge @p0 [sflag:s2], $0x2000  }
0x5a: {  	v19 =	vshrl.u32 v19, $0x3;
	v21 =	vshrl.u32 v21, $0x3;
	v22 =	vshrl.u32 v22, $0x3;
	[sflag:s2] =	ssyncset.done @p0 $0x0  }
0x5b: {  	s31 =	simm.s32 $0x0;
	v20 =	vshrl.u32 v20, $0x3;
	v18 =	vshll.u32 v18, v1;
	v23 =	vshrl.u32 v23, $0x3;
	[sflag:s2] =	ssyncadd.s32 @p0 $0xFFFFE000  }
0x5c: {  	s23 =	sand.u32 $0x3FFFF000, s31;
	s26 =	sor.u32 $0x7, s19;
	v19 =	vshll.u32 v19, v1;
	v21 =	vshll.u32 v21, v1;
	v20 =	vshll.u32 v20, v1;
	_ =	swait.ge @p0 [sflag:s2], $0x2000  }
0x5d: {  	s23 =	sor.u32 $0x800, s23;
	s19 =	sshll.u32 s19, $0x5;
	v25 =	vbroadcast v18, $0x0;
	v18 =	vshrl.u32 v24, $0x3;
	v24 =	vmov s26;
	[sflag:s2] =	ssyncset.done @p0 $0x0  }
0x5e: {  	s28 =	sadd.s32 s19, s23;
	s18 =	sshll.u32 s29, $0x5;
	v23 =	vshll.u32 v23, v1;
	v20 =	vbroadcast v20, $0x0;
	v24 =	vshrl.u32 v24, $0x3;
	[sflag:s2] =	ssyncadd.s32 @p0 $0xFFFFE000  }
0x5f: {  	s6 =	sshll.u32 s24, $0x5;
	s8 =	sadd.s32 s18, s23;
	v21 =	vbroadcast v21, $0x0;
	v27 =	vadd.s32 v0, v25;
	v24 =	vshll.u32 v24, v1;
	v26 =	vld.idx.msk [tilespmem:v17+s28+$0x0 ss:$0x1], $0xffff  }
0x60: {  	s13 =	simm.s32 $0x0;
	s14 =	sshll.u32 s26, $0x5;
	s29 =	sadd.s32 s6, s23;
	v18 =	vshll.u32 v18, v1;
	v29 =	vadd.s32 v5, v20;
	v24 =	vbroadcast v24, $0x0;
	v28 =	vld.idx.msk [tilespmem:v17+s8+$0x0 ss:$0x1], $0xffff  }
0x61: {  	s25 =	sshll.u32 s25, $0x5;
	s18 =	smul.u32 $0x4400, s13;
	s31 =	sadd.s32 s14, s23;
	v19 =	vbroadcast v19, $0x0;
	v23 =	vbroadcast v23, $0x0;
	v31 =	vadd.s32 v9, v21;
	v30 =	vld.idx.msk [tilespmem:v17+s29+$0x0 ss:$0x1], $0xffff  }
0x62: {  	s22 =	sshll.u32 s30, $0x5;
	s25 =	sadd.s32 s25, s23;
	v22 =	vshll.u32 v22, v1;
	v36 =	vbroadcast v18, $0x0;
	v35 =	vadd.s32 v15, v24;
	v34 =	vld.idx.msk [tilespmem:v17+s31+$0x0 ss:$0x1], $0xffff  }
0x63: {  	s15 =	sadd.s32 s22, s23;
	s19 =	sshra.s32 s18, $0x2;
	v37 =	vadd.s32 v3, v19;
	v18 =	vadd.s32 v4, v19;
	v19 =	vadd.s32 v11, v23;
	v32 =	vld.idx.msk [tilespmem:v17+s25+$0x0 ss:$0x1], $0xffff  }
0x64: {  	v22 =	vbroadcast v22, $0x0;
	[tilespmem:v27+s19+$0x10800] =	vst.idx.msk $0xffff, v26;
	v26 =	vld.idx.msk [tilespmem:v17+s15+$0x0 ss:$0x1], $0xffff  }
0x65: {  	v25 =	vadd.s32 v2, v25;
	[tilespmem:v29+s19+$0x10800] =	vst.idx.msk $0xffff, v28;
	v27 =	vld.idx.msk [tilespmem:v17+s28+$0x10 ss:$0x1], $0xffff  }
0x66: {  	s18 =	simm.s32 $0x8;
	v33 =	vadd.s32 v13, v22;
	v20 =	vadd.s32 v6, v20;
	[tilespmem:v31+s19+$0x10800] =	vst.idx.msk $0xffff, v30;
	v28 =	vld.idx.msk [tilespmem:v17+s8+$0x10 ss:$0x1], $0xffff  }
0x67: {  	s20 =	sshll.u32 s21, $0x5;
	v60 =	vadd.s32 v12, v23;
	v38 =	vadd.s32 v7, v36;
	[tilespmem:v35+s19+$0x10800] =	vst.idx.msk $0xffff, v34;
	s8 =	sand.u32 $0x78, s18;
	v29 =	vld.idx.msk [tilespmem:v17+s29+$0x10 ss:$0x1], $0xffff;
	s28 =	sshll.u32 s0, $0x5  }
0x68: {  	v41 =	vadd.s32 v16, v24;
	v31 =	vadd.s32 v10, v21;
	[tilespmem:v19+s19+$0x10800] =	vst.idx.msk $0xffff, v32;
	v42 =	vld.idx.msk [tilespmem:v17+s31+$0x10 ss:$0x1], $0xffff;
	s29 =	simm.s32 $0x100;
	v21 =	vmov s8;
	s22 =	sor.u32 $0x1, s8;
	s13 =	sor.u32 $0x2, s8  }
0x69: {  	v30 =	vadd.s32 v14, v22;
	v63 =	vld.idx.msk [tilespmem:v17+s25+$0x10 ss:$0x1], $0xffff;
	s6 =	sor.u32 $0x4, s8;
	s30 =	sor.u32 $0x6, s8;
	s24 =	sadd.s32 s28, s23;
	v22 =	vshrl.u32 v21, $0x3;
	v21 =	vmov s22  }
0x6a: {  	s21 =	sadd.s32 s20, s23;
	s20 =	sand.u32 $0x3FFFF000, s29;
	v23 =	vmov s13;
	v24 =	vmov s6;
	v61 =	vmov s30;
	v39 =	vld.idx.msk [tilespmem:v17+s24+$0x0 ss:$0x1], $0xffff  }
0x6b: {  	s0 =	sshll.u32 s8, $0x5;
	s28 =	sor.u32 $0x800, s20;
	v21 =	vshrl.u32 v21, $0x3;
	v19 =	vshrl.u32 v24, $0x3;
	v24 =	vld.idx.msk [tilespmem:v17+s21+$0x0 ss:$0x1], $0xffff;
	v23 =	vshrl.u32 v23, $0x3;
	[tilespmem:v33+s19+$0x10800] =	vst.idx.msk $0xffff, v26  }
0x6c: {  	s29 =	sor.u32 $0x3, s8;
	s13 =	sshll.u32 s13, $0x5;
	s14 =	sadd.s32 s0, s28;
	v62 =	vshll.u32 v21, v1;
	v21 =	vshrl.u32 v61, $0x3;
	v19 =	vshll.u32 v19, v1;
	[tilespmem:v20+s19+$0x10800] =	vst.idx.msk $0xffff, v28  }
0x6d: {  	s13 =	sadd.s32 s13, s28;
	v26 =	vmov s29;
	v44 =	vld.idx.msk [tilespmem:v17+s14+$0x0 ss:$0x1], $0xffff;
	v21 =	vshll.u32 v21, v1;
	v20 =	vshll.u32 v22, v1;
	[tilespmem:v31+s19+$0x10800] =	vst.idx.msk $0xffff, v29  }
0x6e: {  	s23 =	sor.u32 $0x5, s8;
	s8 =	sor.u32 $0x7, s8;
	s6 =	sshll.u32 s6, $0x5;
	v46 =	vld.idx.msk [tilespmem:v17+s13+$0x0 ss:$0x1], $0xffff;
	v22 =	vshrl.u32 v26, $0x3;
	v26 =	vshll.u32 v23, v1;
	[tilespmem:v25+s19+$0x10800] =	vst.idx.msk $0xffff, v27;
	v43 =	vbroadcast v20, $0x0  }
0x6f: {  	s31 =	sshll.u32 s23, $0x5;
	s26 =	sadd.s32 s6, s28;
	v40 =	vld.idx.msk [tilespmem:v17+s15+$0x10 ss:$0x1], $0xffff;
	v28 =	vbroadcast v19, $0x0;
	[tilespmem:v60+s19+$0x10800] =	vst.idx.msk $0xffff, v63;
	v45 =	vbroadcast v26, $0x0;
	v26 =	vmov s8  }
0x70: {  	s20 =	sadd.s32 s31, s28;
	v31 =	vld.idx.msk [tilespmem:v17+s26+$0x0 ss:$0x1], $0xffff;
	[tilespmem:v41+s19+$0x10800] =	vst.idx.msk $0xffff, v42;
	v21 =	vbroadcast v21, $0x0;
	s8 =	sshll.u32 s8, $0x5;
	v19 =	vshrl.u32 v26, $0x3;
	v25 =	vadd.s32 v0, v43  }
0x71: {  	s15 =	simm.s32 $0x0;
	v20 =	vshll.u32 v22, v1;
	v22 =	vld.idx.msk [tilespmem:v17+s20+$0x0 ss:$0x1], $0xffff;
	s25 =	sadd.s32 s8, s28;
	v47 =	vadd.s32 v5, v45;
	v19 =	vshll.u32 v19, v1  }
0x72: {  	s6 =	smul.u32 $0x4400, s15;
	v26 =	vmov s23;
	v34 =	vadd.s32 v9, v28;
	[tilespmem:v38+s19+$0x10800] =	vst.idx.msk $0xffff, v39;
	v32 =	vld.idx.msk [tilespmem:v17+s25+$0x0 ss:$0x1], $0xffff;
	v29 =	vbroadcast v19, $0x0  }
0x73: {  	v27 =	vbroadcast v62, $0x0;
	s23 =	sshll.u32 s30, $0x5;
	v23 =	vadd.s32 v13, v21;
	[tilespmem:v37+s19+$0x10800] =	vst.idx.msk $0xffff, v24;
	v24 =	vshrl.u32 v26, $0x3;
	v35 =	vld.idx.msk [tilespmem:v17+s24+$0x10 ss:$0x1], $0xffff  }
0x74: {  	s23 =	sadd.s32 s23, s28;
	v24 =	vshll.u32 v24, v1;
	v26 =	vld.idx.msk [tilespmem:v17+s21+$0x10 ss:$0x1], $0xffff;
	s21 =	sshra.s32 s6, $0x2;
	[tilespmem:v30+s19+$0x10800] =	vst.idx.msk $0xffff, v40;
	v39 =	vadd.s32 v15, v29  }
0x75: {  	v19 =	vbroadcast v20, $0x0;
	v37 =	vld.idx.msk [tilespmem:v17+s23+$0x0 ss:$0x1], $0xffff;
	v33 =	vbroadcast v24, $0x0;
	v40 =	vadd.s32 v8, v36;
	[tilespmem:v25+s21+$0x10800] =	vst.idx.msk $0xffff, v44  }
0x76: {  	s30 =	sshll.u32 s29, $0x5;
	s24 =	sshll.u32 s22, $0x5;
	v20 =	vadd.s32 v3, v27;
	v27 =	vadd.s32 v4, v27;
	[tilespmem:v47+s21+$0x10800] =	vst.idx.msk $0xffff, v46;
	v24 =	vld.idx.msk [tilespmem:v17+s14+$0x10 ss:$0x1], $0xffff  }
0x77: {  	s22 =	sadd.s32 s24, s28;
	s24 =	sadd.s32 s30, s28;
	v30 =	vadd.s32 v6, v45;
	v38 =	vadd.s32 v11, v33;
	v25 =	vadd.s32 v2, v43;
	v36 =	vld.idx.msk [tilespmem:v17+s13+$0x10 ss:$0x1], $0xffff  }
.LBB2_4:
0x78: {  	s18 =	sadd.s32 $0x8, s18;
	[tilespmem:v34+s21+$0x10800] =	vst.idx.msk $0xffff, v31;
	v41 =	vadd.s32 v14, v21  }
0x79: {  	v42 =	vadd.s32 v7, v19;
	v28 =	vadd.s32 v10, v28;
	s6 =	sshrl.u32 s18, $0x7;
	s8 =	sand.u32 $0x78, s18;
	s13 =	sshll.u32 s18, $0x5;
	v31 =	vld.idx.msk [tilespmem:v17+s26+$0x10 ss:$0x1], $0xffff;
	[tilespmem:v39+s21+$0x10800] =	vst.idx.msk $0xffff, v32  }
0x7a: {  	v33 =	vadd.s32 v12, v33;
	v44 =	vadd.s32 v16, v29;
	v21 =	vmov s8;
	s26 =	sor.u32 $0x1, s8;
	s29 =	sor.u32 $0x2, s8;
	s30 =	sor.u32 $0x6, s8;
	v43 =	vld.idx.msk [tilespmem:v17+s25+$0x10 ss:$0x1], $0xffff;
	[tilespmem:v40+s19+$0x10800] =	vst.idx.msk $0xffff, v35  }
0x7b: {  	s25 =	sor.u32 $0x4, s8;
	s31 =	sor.u32 $0x5, s8;
	v29 =	vshrl.u32 v21, $0x3;
	v21 =	vmov s26;
	v32 =	vmov s29;
	s14 =	sshll.u32 s30, $0x5;
	[tilespmem:v23+s21+$0x10800] =	vst.idx.msk $0xffff, v37  }
0x7c: {  	s28 =	smul.u32 $0x4400, s6;
	s6 =	sshll.u32 s26, $0x5;
	v23 =	vmov s25;
	v34 =	vmov s30;
	s30 =	sor.u32 $0x7, s8;
	v21 =	vshrl.u32 v21, $0x3;
	[tilespmem:v38+s21+$0x10800] =	vst.idx.msk $0xffff, v22  }
0x7d: {  	s13 =	sand.u32 $0x3FFFF000, s13;
	s26 =	sshll.u32 s8, $0x5;
	v22 =	vshrl.u32 v34, $0x3;
	s15 =	sshll.u32 s30, $0x5;
	v35 =	vshll.u32 v21, v1;
	v21 =	vshrl.u32 v23, $0x3;
	v34 =	vld.idx.msk [tilespmem:v17+s22+$0x0 ss:$0x1], $0xffff;
	[tilespmem:v30+s21+$0x10800] =	vst.idx.msk $0xffff, v36  }
0x7e: {  	p0 =	slt.u32 s18, $0x3F8;
	s8 =	sor.u32 $0x3, s8;
	s0 =	sshll.u32 s25, $0x5;
	v36 =	vmov s31;
	v30 =	vshll.u32 v21, v1;
	v21 =	vshll.u32 v22, v1;
	v37 =	vld.idx.msk [tilespmem:v17+s24+$0x0 ss:$0x1], $0xffff;
	[tilespmem:v18+s19+$0x10800] =	vst.idx.msk $0xffff, v26  }
0x7f: {  	s13 =	sor.u32 $0x800, s13;
	v23 =	vmov s8;
	s8 =	sshll.u32 s8, $0x5;
	v22 =	vshrl.u32 v32, $0x3;
	s19 =	sshll.u32 s31, $0x5;
	v18 =	vmovc v27;
	v21 =	vbroadcast v21, $0x0;
	[tilespmem:v28+s21+$0x10800] =	vst.idx.msk $0xffff, v31;
	v26 =	vld.idx.msk [tilespmem:v17+s20+$0x10 ss:$0x1], $0xffff  }
0x80: {  	s6 =	sadd.s32 s6, s13;
	s25 =	sadd.s32 s15, s13;
	v27 =	vshll.u32 v29, v1;
	v28 =	vshll.u32 v22, v1;
	v22 =	vshrl.u32 v23, $0x3;
	s20 =	sadd.s32 s19, s13;
	v38 =	vld.idx.msk [tilespmem:v17+s23+$0x10 ss:$0x1], $0xffff  }
0x81: {  	s15 =	sadd.s32 s26, s13;
	s26 =	sadd.s32 s0, s13;
	v45 =	vbroadcast v27, $0x0;
	s19 =	sshll.u32 s29, $0x5;
	v27 =	vshll.u32 v22, v1;
	v22 =	vld.idx.msk [tilespmem:v17+s20+$0x0 ss:$0x1], $0xffff;
	v23 =	vadd.s32 v13, v21  }
0x82: {  	v46 =	vbroadcast v35, $0x0;
	v29 =	vmov s30;
	s0 =	sadd.s32 s19, s13;
	v47 =	vbroadcast v28, $0x0;
	s23 =	sadd.s32 s14, s13;
	s19 =	smov.u32 s21;
	v40 =	vld.idx.msk [tilespmem:v17+s15+$0x0 ss:$0x1], $0xffff;
	[tilespmem:v25+s21+$0x10800] =	vst.idx.msk $0xffff, v24  }
0x83: {  	s8 =	sadd.s32 s8, s13;
	v29 =	vshrl.u32 v29, $0x3;
	v28 =	vbroadcast v30, $0x0;
	v24 =	vadd.s32 v0, v45;
	v25 =	vld.idx.msk [tilespmem:v17+s0+$0x0 ss:$0x1], $0xffff;
	[tilespmem:v20+s19+$0x10800] =	vst.idx.msk $0xffff, v34  }
0x84: {  	v49 =	vbroadcast v27, $0x0;
	v48 =	vadd.s32 v5, v47;
	v20 =	vshll.u32 v29, v1;
	v31 =	vld.idx.msk [tilespmem:v17+s26+$0x0 ss:$0x1], $0xffff  }
0x85: {  	v27 =	vshrl.u32 v36, $0x3;
	s21 =	sshra.s32 s28, $0x2;
	v34 =	vadd.s32 v9, v28;
	v29 =	vbroadcast v20, $0x0;
	v32 =	vld.idx.msk [tilespmem:v17+s25+$0x0 ss:$0x1], $0xffff;
	[tilespmem:v33+s19+$0x10800] =	vst.idx.msk $0xffff, v26  }
.Ltmp0:
0x86: {  	v27 =	vshll.u32 v27, v1;
	v20 =	vadd.s32 v3, v46;
	v26 =	vld.idx.msk [tilespmem:v17+s22+$0x10 ss:$0x1], $0xffff;
	[tilespmem:v42+s19+$0x10800] =	vst.idx.msk $0xffff, v37;
	s22 =	smov.u32 s6;
	(pc) =	sbr.rel @p0 .LBB2_4-.Ltmp0, $4  }
0x87: {  	v33 =	vbroadcast v27, $0x0;
	v39 =	vadd.s32 v15, v29;
	v35 =	vld.idx.msk [tilespmem:v17+s24+$0x10 ss:$0x1], $0xffff;
	[tilespmem:v41+s19+$0x10800] =	vst.idx.msk $0xffff, v38;
	s24 =	smov.u32 s8  }
0x88: {  	v30 =	vadd.s32 v6, v47;
	[tilespmem:v24+s21+$0x10800] =	vst.idx.msk $0xffff, v40;
	v37 =	vld.idx.msk [tilespmem:v17+s23+$0x0 ss:$0x1], $0xffff;
	v40 =	vadd.s32 v8, v19  }
0x89: {  	v27 =	vadd.s32 v4, v46;
	v38 =	vadd.s32 v11, v33;
	v24 =	vld.idx.msk [tilespmem:v17+s15+$0x10 ss:$0x1], $0xffff;
	[tilespmem:v48+s21+$0x10800] =	vst.idx.msk $0xffff, v25  }
0x8a: {  	v19 =	vmov v49;
	v25 =	vadd.s32 v2, v45;
	v36 =	vld.idx.msk [tilespmem:v17+s0+$0x10 ss:$0x1], $0xffff;
	[tilespmem:v44+s19+$0x10800] =	vst.idx.msk $0xffff, v43  }
0x8b: {  	_ =	sdelay $0x3  }
0x8c: {  	[tilespmem:v34+s21+$0x10800] =	vst.idx.msk $0xffff, v31  }
0x8d: {  	[tilespmem:v39+s21+$0x10800] =	vst.idx.msk $0xffff, v32  }
0x8e: {  	[tilespmem:v38+s21+$0x10800] =	vst.idx.msk $0xffff, v22  }
0x8f: {  	v57 =	vadd.s32 v7, v19;
	v58 =	vld.idx.msk [tilespmem:v17+s24+$0x0 ss:$0x1], $0xffff;
	[tilespmem:v18+s19+$0x10800] =	vst.idx.msk $0xffff, v26  }
0x90: {  	v59 =	vld.idx.msk [tilespmem:v17+s22+$0x0 ss:$0x1], $0xffff;
	[tilespmem:v40+s19+$0x10800] =	vst.idx.msk $0xffff, v35  }
0x91: {  	v28 =	vadd.s32 v10, v28;
	v31 =	vld.idx.msk [tilespmem:v17+s26+$0x10 ss:$0x1], $0xffff;
	[tilespmem:v23+s21+$0x10800] =	vst.idx.msk $0xffff, v37  }
0x92: {  	v60 =	vadd.s32 v12, v33;
	v18 =	vld.idx.msk [tilespmem:v17+s20+$0x10 ss:$0x1], $0xffff;
	[tilespmem:v25+s21+$0x10800] =	vst.idx.msk $0xffff, v24  }
0x93: {  	v29 =	vadd.s32 v16, v29;
	v62 =	vld.idx.msk [tilespmem:v17+s25+$0x10 ss:$0x1], $0xffff;
	[tilespmem:v30+s21+$0x10800] =	vst.idx.msk $0xffff, v36  }
0x94: {  	v21 =	vadd.s32 v14, v21;
	v61 =	vld.idx.msk [tilespmem:v17+s23+$0x10 ss:$0x1], $0xffff;
	[tilespmem:v57+s21+$0x10800] =	vst.idx.msk $0xffff, v58  }
0x95: {  	v19 =	vadd.s32 v8, v19;
	[tilespmem:v20+s21+$0x10800] =	vst.idx.msk $0xffff, v59;
	v63 =	vld.idx.msk [tilespmem:v17+s24+$0x10 ss:$0x1], $0xffff  }
0x96: {  	[tilespmem:v28+s21+$0x10800] =	vst.idx.msk $0xffff, v31;
	v17 =	vld.idx.msk [tilespmem:v17+s22+$0x10 ss:$0x1], $0xffff  }
0x97: {  	s0 =	sadd.s32 s5, s16;
	[tilespmem:v60+s21+$0x10800] =	vst.idx.msk $0xffff, v18  }
0x98: {  	s6 =	sshll.u32 s0, $0xC;
	s0 =	sshll.u32 s0, $0x7;
	[tilespmem:v29+s21+$0x10800] =	vst.idx.msk $0xffff, v62  }
0x99: {  	s6 =	sand.u32 $0xFF80000, s6;
	s0 =	sand.u32 $0x3F80, s0;
	[tilespmem:v21+s21+$0x10800] =	vst.idx.msk $0xffff, v61  }
0x9a: {  	s16 =	sor.u32 s0, s6;
	[tilespmem:v19+s21+$0x10800] =	vst.idx.msk $0xffff, v63  }
0x9b: {  	s19 =	simm.s32 $0x10800;
	s0 =	sadd.s32 s3, s16;
	[tilespmem:v27+s21+$0x10800] =	vst.idx.msk $0xffff, v17  }
0x9c: {  	[hbm4b:s0+s4] =	stream.linear.scatter [tilespmem:s19], [sflag:$0x5], $0x80, $0x38;
	[tilespmem:$0x19000] =	vst v63  }
0x9d: {  	s20 =	simm.s32 $0x10888;
	s8 =	sadd.s32 $0x10, s0  }
0x9e: {  	[hbm4b:s8+s4] =	stream.linear.scatter [tilespmem:s20], [sflag:$0x5], $0x80, $0x38;
	[tilespmem:$0x19000] =	vst v63  }
0x9f: {  	s28 =	simm.s32 $0x10AA8;
	s22 =	sadd.s32 $0x20, s0;
	s21 =	simm.s32 $0x10910  }
0xa0: {  	[hbm4b:s22+s4] =	stream.linear.scatter [tilespmem:s21], [sflag:$0x5], $0x80, $0x38;
	[tilespmem:$0x19000] =	vst v63  }
0xa1: {  	s30 =	simm.s32 $0x10B30;
	s23 =	simm.s32 $0x10998;
	s24 =	sadd.s32 $0x30, s0  }
0xa2: {  	[hbm4b:s24+s4] =	stream.linear.scatter [tilespmem:s23], [sflag:$0x5], $0x80, $0x38;
	[tilespmem:$0x19000] =	vst v63  }
0xa3: {  	s18 =	simm.s32 $0x1100;
	s25 =	simm.s32 $0x10A20;
	s26 =	sadd.s32 $0x40, s0  }
0xa4: {  	[hbm4b:s26+s4] =	stream.linear.scatter [tilespmem:s25], [sflag:$0x5], $0x80, $0x38;
	[tilespmem:$0x19000] =	vst v63  }
0xa5: {  	s29 =	sadd.s32 $0x50, s0;
	s31 =	sadd.s32 $0x60, s0;
	s19 =	sadd.s32 $0x10000, s0  }
0xa6: {  	[hbm4b:s29+s4] =	stream.linear.scatter [tilespmem:s28], [sflag:$0x5], $0x80, $0x38;
	[tilespmem:$0x19000] =	vst v63  }
0xa7: {  	s20 =	simm.s32 $0x8800;
	s21 =	simm.s32 $0x10BB8;
	s22 =	sadd.s32 $0x70, s0  }
0xa8: {  	[hbm4b:s31+s4] =	stream.linear.scatter [tilespmem:s30], [sflag:$0x5], $0x80, $0x38;
	[tilespmem:$0x19000] =	vst v63  }
.LBB2_6:
0xa9: {  	[hbm4b:s22+s4] =	stream.linear.scatter [tilespmem:s21], [sflag:$0x5], $0x80, $0x38;
	[tilespmem:$0x19000] =	vst v63  }
0xaa: {  	s0 =	smov.u32 s18;
	s6 =	smov.u32 s20  }
0xab: {  	s18 =	sshra.s32 s6, $0x2;
	s6 =	sadd.s32 $0x4400, s20;
	s8 =	sadd.s32 $0x10800, s0  }
0xac: {  	[hbm4b:s19+s4] =	stream.linear.scatter [tilespmem:s8], [sflag:$0x5], $0x80, $0x38;
	[tilespmem:$0x19000] =	vst v63  }
0xad: {  	p0 =	sne.s32 s20, $0x1DC00;
	s13 =	sadd.s32 $0x10, s19;
	s8 =	sadd.s32 $0x10888, s0  }
0xae: {  	[hbm4b:s13+s4] =	stream.linear.scatter [tilespmem:s8], [sflag:$0x5], $0x80, $0x38;
	[tilespmem:$0x19000] =	vst v63  }
0xaf: {  	s8 =	sadd.s32 $0x10910, s0;
	s13 =	sadd.s32 $0x20, s19  }
0xb0: {  	[hbm4b:s13+s4] =	stream.linear.scatter [tilespmem:s8], [sflag:$0x5], $0x80, $0x38;
	[tilespmem:$0x19000] =	vst v63  }
0xb1: {  	s8 =	sadd.s32 $0x10998, s0;
	s13 =	sadd.s32 $0x30, s19  }
0xb2: {  	[hbm4b:s13+s4] =	stream.linear.scatter [tilespmem:s8], [sflag:$0x5], $0x80, $0x38;
	[tilespmem:$0x19000] =	vst v63  }
0xb3: {  	s8 =	sadd.s32 $0x10A20, s0;
	s13 =	sadd.s32 $0x40, s19  }
0xb4: {  	[hbm4b:s13+s4] =	stream.linear.scatter [tilespmem:s8], [sflag:$0x5], $0x80, $0x38;
	[tilespmem:$0x19000] =	vst v63  }
.Ltmp1:
0xb5: {  	s8 =	sadd.s32 $0x10AA8, s0;
	s13 =	sadd.s32 $0x50, s19;
	(pc) =	sbr.rel @p0 .LBB2_6-.Ltmp1, $4  }
0xb6: {  	[hbm4b:s13+s4] =	stream.linear.scatter [tilespmem:s8], [sflag:$0x5], $0x80, $0x38;
	[tilespmem:$0x19000] =	vst v63  }
0xb7: {  	s22 =	sadd.s32 $0x70, s19;
	s8 =	sadd.s32 $0x10B30, s0;
	s13 =	sadd.s32 $0x60, s19  }
0xb8: {  	[hbm4b:s13+s4] =	stream.linear.scatter [tilespmem:s8], [sflag:$0x5], $0x80, $0x38;
	[tilespmem:$0x19000] =	vst v63  }
0xb9: {  	s21 =	sadd.s32 $0x10BB8, s0;
	s20 =	smov.u32 s6;
	s19 =	sadd.s32 $0x10000, s19  }
0xba: {  	[hbm4b:s22+s4] =	stream.linear.scatter [tilespmem:s21], [sflag:$0x5], $0x80, $0x38;
	[tilespmem:$0x19000] =	vst v63  }
0xbb: {  	s0 =	sadd.s32 $0x10800, s18  }
0xbc: {  	[hbm4b:s19+s4] =	stream.linear.scatter [tilespmem:s0], [sflag:$0x5], $0x80, $0x38;
	[tilespmem:$0x19000] =	vst v63  }
0xbd: {  	s22 =	sadd.s32 $0x10888, s18;
	s6 =	sadd.s32 $0x10, s19  }
0xbe: {  	[hbm4b:s6+s4] =	stream.linear.scatter [tilespmem:s22], [sflag:$0x5], $0x80, $0x38;
	[tilespmem:$0x19000] =	vst v63  }
0xbf: {  	s23 =	sadd.s32 $0x10910, s18;
	s24 =	sadd.s32 $0x20, s19  }
0xc0: {  	[hbm4b:s24+s4] =	stream.linear.scatter [tilespmem:s23], [sflag:$0x5], $0x80, $0x38;
	[tilespmem:$0x19000] =	vst v63  }
0xc1: {  	s25 =	sadd.s32 $0x10998, s18;
	s26 =	sadd.s32 $0x30, s19  }
0xc2: {  	[hbm4b:s26+s4] =	stream.linear.scatter [tilespmem:s25], [sflag:$0x5], $0x80, $0x38;
	[tilespmem:$0x19000] =	vst v63  }
0xc3: {  	s28 =	sadd.s32 $0x10A20, s18;
	s29 =	sadd.s32 $0x40, s19  }
0xc4: {  	[hbm4b:s29+s4] =	stream.linear.scatter [tilespmem:s28], [sflag:$0x5], $0x80, $0x38;
	[tilespmem:$0x19000] =	vst v63  }
0xc5: {  	s30 =	sadd.s32 $0x10AA8, s18;
	s31 =	sadd.s32 $0x50, s19  }
0xc6: {  	[hbm4b:s31+s4] =	stream.linear.scatter [tilespmem:s30], [sflag:$0x5], $0x80, $0x38;
	[tilespmem:$0x19000] =	vst v63  }
0xc7: {  	s8 =	sadd.s32 $0x60, s19;
	s6 =	sadd.s32 $0x10B30, s18  }
0xc8: {  	[hbm4b:s8+s4] =	stream.linear.scatter [tilespmem:s6], [sflag:$0x5], $0x80, $0x38;
	[tilespmem:$0x19000] =	vst v63  }
0xc9: {  	s13 =	sadd.s32 $0x10BB8, s18;
	s14 =	sadd.s32 $0x70, s19  }
0xca: {  	[hbm4b:s14+s4] =	stream.linear.scatter [tilespmem:s13], [sflag:$0x5], $0x80, $0x38;
	[tilespmem:$0x19000] =	vst v63  }
0xcb: {  	s15 =	sadd.s32 s16, s10;
	s19 =	simm.s32 $0x10C40  }
0xcc: {  	[hbm4b:s15+s4] =	stream.linear.scatter [tilespmem:s19], [sflag:$0x5], $0x80, $0x38;
	[tilespmem:$0x19000] =	vst v63  }
0xcd: {  	s20 =	simm.s32 $0x10CC8;
	s8 =	sadd.s32 $0x10, s15  }
0xce: {  	[hbm4b:s8+s4] =	stream.linear.scatter [tilespmem:s20], [sflag:$0x5], $0x80, $0x38;
	[tilespmem:$0x19000] =	vst v63  }
0xcf: {  	s21 =	simm.s32 $0x10D50;
	s22 =	sadd.s32 $0x20, s15;
	s18 =	simm.s32 $0x1100  }
0xd0: {  	[hbm4b:s22+s4] =	stream.linear.scatter [tilespmem:s21], [sflag:$0x5], $0x80, $0x38;
	[tilespmem:$0x19000] =	vst v63  }
0xd1: {  	s23 =	simm.s32 $0x10DD8;
	s24 =	sadd.s32 $0x30, s15;
	s25 =	simm.s32 $0x10E60  }
0xd2: {  	[hbm4b:s24+s4] =	stream.linear.scatter [tilespmem:s23], [sflag:$0x5], $0x80, $0x38;
	[tilespmem:$0x19000] =	vst v63  }
0xd3: {  	s26 =	sadd.s32 $0x40, s15;
	s28 =	simm.s32 $0x10EE8;
	s29 =	sadd.s32 $0x50, s15  }
0xd4: {  	[hbm4b:s26+s4] =	stream.linear.scatter [tilespmem:s25], [sflag:$0x5], $0x80, $0x38;
	[tilespmem:$0x19000] =	vst v63  }
0xd5: {  	s30 =	simm.s32 $0x10F70;
	s31 =	sadd.s32 $0x60, s15;
	s19 =	sadd.s32 $0x10000, s15  }
0xd6: {  	[hbm4b:s29+s4] =	stream.linear.scatter [tilespmem:s28], [sflag:$0x5], $0x80, $0x38;
	[tilespmem:$0x19000] =	vst v63  }
0xd7: {  	s20 =	simm.s32 $0x8800;
	s21 =	simm.s32 $0x10FF8;
	s22 =	sadd.s32 $0x70, s15  }
0xd8: {  	[hbm4b:s31+s4] =	stream.linear.scatter [tilespmem:s30], [sflag:$0x5], $0x80, $0x38;
	[tilespmem:$0x19000] =	vst v63  }
.LBB2_8:
0xd9: {  	[hbm4b:s22+s4] =	stream.linear.scatter [tilespmem:s21], [sflag:$0x5], $0x80, $0x38;
	[tilespmem:$0x19000] =	vst v63  }
0xda: {  	s0 =	smov.u32 s18;
	s6 =	smov.u32 s20  }
0xdb: {  	s18 =	sshra.s32 s6, $0x2;
	s6 =	sadd.s32 $0x4400, s20;
	s8 =	sadd.s32 $0x10C40, s0  }
0xdc: {  	[hbm4b:s19+s4] =	stream.linear.scatter [tilespmem:s8], [sflag:$0x5], $0x80, $0x38;
	[tilespmem:$0x19000] =	vst v63  }
0xdd: {  	p0 =	sne.s32 s20, $0x1DC00;
	s13 =	sadd.s32 $0x10, s19;
	s8 =	sadd.s32 $0x10CC8, s0  }
0xde: {  	[hbm4b:s13+s4] =	stream.linear.scatter [tilespmem:s8], [sflag:$0x5], $0x80, $0x38;
	[tilespmem:$0x19000] =	vst v63  }
0xdf: {  	s8 =	sadd.s32 $0x10D50, s0;
	s13 =	sadd.s32 $0x20, s19  }
0xe0: {  	[hbm4b:s13+s4] =	stream.linear.scatter [tilespmem:s8], [sflag:$0x5], $0x80, $0x38;
	[tilespmem:$0x19000] =	vst v63  }
0xe1: {  	s8 =	sadd.s32 $0x10DD8, s0;
	s13 =	sadd.s32 $0x30, s19  }
0xe2: {  	[hbm4b:s13+s4] =	stream.linear.scatter [tilespmem:s8], [sflag:$0x5], $0x80, $0x38;
	[tilespmem:$0x19000] =	vst v63  }
0xe3: {  	s8 =	sadd.s32 $0x10E60, s0;
	s13 =	sadd.s32 $0x40, s19  }
0xe4: {  	[hbm4b:s13+s4] =	stream.linear.scatter [tilespmem:s8], [sflag:$0x5], $0x80, $0x38;
	[tilespmem:$0x19000] =	vst v63  }
.Ltmp2:
0xe5: {  	s8 =	sadd.s32 $0x10EE8, s0;
	s13 =	sadd.s32 $0x50, s19;
	(pc) =	sbr.rel @p0 .LBB2_8-.Ltmp2, $4  }
0xe6: {  	[hbm4b:s13+s4] =	stream.linear.scatter [tilespmem:s8], [sflag:$0x5], $0x80, $0x38;
	[tilespmem:$0x19000] =	vst v63  }
0xe7: {  	s22 =	sadd.s32 $0x70, s19;
	s8 =	sadd.s32 $0x10F70, s0;
	s13 =	sadd.s32 $0x60, s19  }
0xe8: {  	[hbm4b:s13+s4] =	stream.linear.scatter [tilespmem:s8], [sflag:$0x5], $0x80, $0x38;
	[tilespmem:$0x19000] =	vst v63  }
0xe9: {  	s21 =	sadd.s32 $0x10FF8, s0;
	s20 =	smov.u32 s6;
	s19 =	sadd.s32 $0x10000, s19  }
0xea: {  	[hbm4b:s22+s4] =	stream.linear.scatter [tilespmem:s21], [sflag:$0x5], $0x80, $0x38;
	[tilespmem:$0x19000] =	vst v63  }
0xeb: {  	s0 =	sadd.s32 $0x10C40, s18  }
0xec: {  	[hbm4b:s19+s4] =	stream.linear.scatter [tilespmem:s0], [sflag:$0x5], $0x80, $0x38;
	[tilespmem:$0x19000] =	vst v63  }
0xed: {  	s22 =	sadd.s32 $0x10CC8, s18;
	s6 =	sadd.s32 $0x10, s19  }
0xee: {  	[hbm4b:s6+s4] =	stream.linear.scatter [tilespmem:s22], [sflag:$0x5], $0x80, $0x38;
	[tilespmem:$0x19000] =	vst v63  }
0xef: {  	s23 =	sadd.s32 $0x10D50, s18;
	s24 =	sadd.s32 $0x20, s19  }
0xf0: {  	[hbm4b:s24+s4] =	stream.linear.scatter [tilespmem:s23], [sflag:$0x5], $0x80, $0x38;
	[tilespmem:$0x19000] =	vst v63  }
0xf1: {  	s25 =	sadd.s32 $0x10DD8, s18;
	s26 =	sadd.s32 $0x30, s19  }
0xf2: {  	[hbm4b:s26+s4] =	stream.linear.scatter [tilespmem:s25], [sflag:$0x5], $0x80, $0x38;
	[tilespmem:$0x19000] =	vst v63  }
0xf3: {  	s28 =	sadd.s32 $0x10E60, s18;
	s29 =	sadd.s32 $0x40, s19  }
0xf4: {  	[hbm4b:s29+s4] =	stream.linear.scatter [tilespmem:s28], [sflag:$0x5], $0x80, $0x38;
	[tilespmem:$0x19000] =	vst v63  }
0xf5: {  	s30 =	sadd.s32 $0x10EE8, s18;
	s31 =	sadd.s32 $0x50, s19  }
0xf6: {  	[hbm4b:s31+s4] =	stream.linear.scatter [tilespmem:s30], [sflag:$0x5], $0x80, $0x38;
	[tilespmem:$0x19000] =	vst v63  }
0xf7: {  	s8 =	sadd.s32 $0x60, s19;
	s6 =	sadd.s32 $0x10F70, s18  }
0xf8: {  	[hbm4b:s8+s4] =	stream.linear.scatter [tilespmem:s6], [sflag:$0x5], $0x80, $0x38;
	[tilespmem:$0x19000] =	vst v63  }
0xf9: {  	s13 =	sadd.s32 $0x10FF8, s18;
	s14 =	sadd.s32 $0x70, s19  }
0xfa: {  	[hbm4b:s14+s4] =	stream.linear.scatter [tilespmem:s13], [sflag:$0x5], $0x80, $0x38;
	[tilespmem:$0x19000] =	vst v63  }
0xfb: {  	s15 =	sadd.s32 s16, s11;
	s19 =	simm.s32 $0x11080  }
0xfc: {  	[hbm4b:s15+s4] =	stream.linear.scatter [tilespmem:s19], [sflag:$0x5], $0x80, $0x38;
	[tilespmem:$0x19000] =	vst v63  }
0xfd: {  	s20 =	simm.s32 $0x11108;
	s8 =	sadd.s32 $0x10, s15  }
0xfe: {  	[hbm4b:s8+s4] =	stream.linear.scatter [tilespmem:s20], [sflag:$0x5], $0x80, $0x38;
	[tilespmem:$0x19000] =	vst v63  }
0xff: {  	s21 =	simm.s32 $0x11190;
	s22 =	sadd.s32 $0x20, s15;
	s18 =	simm.s32 $0x1100  }
0x100: {  	[hbm4b:s22+s4] =	stream.linear.scatter [tilespmem:s21], [sflag:$0x5], $0x80, $0x38;
	[tilespmem:$0x19000] =	vst v63  }
0x101: {  	s23 =	simm.s32 $0x11218;
	s24 =	sadd.s32 $0x30, s15;
	s25 =	simm.s32 $0x112A0  }
0x102: {  	[hbm4b:s24+s4] =	stream.linear.scatter [tilespmem:s23], [sflag:$0x5], $0x80, $0x38;
	[tilespmem:$0x19000] =	vst v63  }
0x103: {  	s26 =	sadd.s32 $0x40, s15;
	s28 =	simm.s32 $0x11328;
	s29 =	sadd.s32 $0x50, s15  }
0x104: {  	[hbm4b:s26+s4] =	stream.linear.scatter [tilespmem:s25], [sflag:$0x5], $0x80, $0x38;
	[tilespmem:$0x19000] =	vst v63  }
0x105: {  	s30 =	simm.s32 $0x113B0;
	s31 =	sadd.s32 $0x60, s15;
	s19 =	sadd.s32 $0x10000, s15  }
0x106: {  	[hbm4b:s29+s4] =	stream.linear.scatter [tilespmem:s28], [sflag:$0x5], $0x80, $0x38;
	[tilespmem:$0x19000] =	vst v63  }
0x107: {  	s20 =	simm.s32 $0x8800;
	s21 =	simm.s32 $0x11438;
	s22 =	sadd.s32 $0x70, s15  }
0x108: {  	[hbm4b:s31+s4] =	stream.linear.scatter [tilespmem:s30], [sflag:$0x5], $0x80, $0x38;
	[tilespmem:$0x19000] =	vst v63  }
.LBB2_10:
0x109: {  	[hbm4b:s22+s4] =	stream.linear.scatter [tilespmem:s21], [sflag:$0x5], $0x80, $0x38;
	[tilespmem:$0x19000] =	vst v63  }
0x10a: {  	s0 =	smov.u32 s18;
	s6 =	smov.u32 s20  }
0x10b: {  	s18 =	sshra.s32 s6, $0x2;
	s6 =	sadd.s32 $0x4400, s20;
	s8 =	sadd.s32 $0x11080, s0  }
0x10c: {  	[hbm4b:s19+s4] =	stream.linear.scatter [tilespmem:s8], [sflag:$0x5], $0x80, $0x38;
	[tilespmem:$0x19000] =	vst v63  }
0x10d: {  	p0 =	sne.s32 s20, $0x1DC00;
	s13 =	sadd.s32 $0x10, s19;
	s8 =	sadd.s32 $0x11108, s0  }
0x10e: {  	[hbm4b:s13+s4] =	stream.linear.scatter [tilespmem:s8], [sflag:$0x5], $0x80, $0x38;
	[tilespmem:$0x19000] =	vst v63  }
0x10f: {  	s8 =	sadd.s32 $0x11190, s0;
	s13 =	sadd.s32 $0x20, s19  }
0x110: {  	[hbm4b:s13+s4] =	stream.linear.scatter [tilespmem:s8], [sflag:$0x5], $0x80, $0x38;
	[tilespmem:$0x19000] =	vst v63  }
0x111: {  	s8 =	sadd.s32 $0x11218, s0;
	s13 =	sadd.s32 $0x30, s19  }
0x112: {  	[hbm4b:s13+s4] =	stream.linear.scatter [tilespmem:s8], [sflag:$0x5], $0x80, $0x38;
	[tilespmem:$0x19000] =	vst v63  }
0x113: {  	s8 =	sadd.s32 $0x112A0, s0;
	s13 =	sadd.s32 $0x40, s19  }
0x114: {  	[hbm4b:s13+s4] =	stream.linear.scatter [tilespmem:s8], [sflag:$0x5], $0x80, $0x38;
	[tilespmem:$0x19000] =	vst v63  }
.Ltmp3:
0x115: {  	s8 =	sadd.s32 $0x11328, s0;
	s13 =	sadd.s32 $0x50, s19;
	(pc) =	sbr.rel @p0 .LBB2_10-.Ltmp3, $4  }
0x116: {  	[hbm4b:s13+s4] =	stream.linear.scatter [tilespmem:s8], [sflag:$0x5], $0x80, $0x38;
	[tilespmem:$0x19000] =	vst v63  }
0x117: {  	s22 =	sadd.s32 $0x70, s19;
	s8 =	sadd.s32 $0x113B0, s0;
	s13 =	sadd.s32 $0x60, s19  }
0x118: {  	[hbm4b:s13+s4] =	stream.linear.scatter [tilespmem:s8], [sflag:$0x5], $0x80, $0x38;
	[tilespmem:$0x19000] =	vst v63  }
0x119: {  	s21 =	sadd.s32 $0x11438, s0;
	s20 =	smov.u32 s6;
	s19 =	sadd.s32 $0x10000, s19  }
0x11a: {  	[hbm4b:s22+s4] =	stream.linear.scatter [tilespmem:s21], [sflag:$0x5], $0x80, $0x38;
	[tilespmem:$0x19000] =	vst v63  }
0x11b: {  	s0 =	sadd.s32 $0x11080, s18  }
0x11c: {  	[hbm4b:s19+s4] =	stream.linear.scatter [tilespmem:s0], [sflag:$0x5], $0x80, $0x38;
	[tilespmem:$0x19000] =	vst v63  }
0x11d: {  	s22 =	sadd.s32 $0x11108, s18;
	s6 =	sadd.s32 $0x10, s19  }
0x11e: {  	[hbm4b:s6+s4] =	stream.linear.scatter [tilespmem:s22], [sflag:$0x5], $0x80, $0x38;
	[tilespmem:$0x19000] =	vst v63  }
0x11f: {  	s23 =	sadd.s32 $0x11190, s18;
	s24 =	sadd.s32 $0x20, s19  }
0x120: {  	[hbm4b:s24+s4] =	stream.linear.scatter [tilespmem:s23], [sflag:$0x5], $0x80, $0x38;
	[tilespmem:$0x19000] =	vst v63  }
0x121: {  	s25 =	sadd.s32 $0x11218, s18;
	s26 =	sadd.s32 $0x30, s19  }
0x122: {  	[hbm4b:s26+s4] =	stream.linear.scatter [tilespmem:s25], [sflag:$0x5], $0x80, $0x38;
	[tilespmem:$0x19000] =	vst v63  }
0x123: {  	s28 =	sadd.s32 $0x112A0, s18;
	s29 =	sadd.s32 $0x40, s19  }
0x124: {  	[hbm4b:s29+s4] =	stream.linear.scatter [tilespmem:s28], [sflag:$0x5], $0x80, $0x38;
	[tilespmem:$0x19000] =	vst v63  }
0x125: {  	s30 =	sadd.s32 $0x11328, s18;
	s31 =	sadd.s32 $0x50, s19  }
0x126: {  	[hbm4b:s31+s4] =	stream.linear.scatter [tilespmem:s30], [sflag:$0x5], $0x80, $0x38;
	[tilespmem:$0x19000] =	vst v63  }
0x127: {  	s8 =	sadd.s32 $0x113B0, s18;
	s13 =	sadd.s32 $0x60, s19  }
0x128: {  	[hbm4b:s13+s4] =	stream.linear.scatter [tilespmem:s8], [sflag:$0x5], $0x80, $0x38;
	[tilespmem:$0x19000] =	vst v63  }
0x129: {  	s14 =	sadd.s32 $0x11438, s18;
	s15 =	sadd.s32 $0x70, s19  }
0x12a: {  	[hbm4b:s15+s4] =	stream.linear.scatter [tilespmem:s14], [sflag:$0x5], $0x80, $0x38;
	[tilespmem:$0x19000] =	vst v63  }
0x12b: {  	s18 =	sadd.s32 s16, s12;
	s19 =	simm.s32 $0x114C0  }
0x12c: {  	[hbm4b:s18+s4] =	stream.linear.scatter [tilespmem:s19], [sflag:$0x5], $0x80, $0x38;
	[tilespmem:$0x19000] =	vst v63  }
0x12d: {  	s20 =	simm.s32 $0x11548;
	s8 =	sadd.s32 $0x10, s18  }
0x12e: {  	[hbm4b:s8+s4] =	stream.linear.scatter [tilespmem:s20], [sflag:$0x5], $0x80, $0x38;
	[tilespmem:$0x19000] =	vst v63  }
0x12f: {  	s21 =	simm.s32 $0x115D0;
	s16 =	simm.s32 $0x1100;
	s22 =	sadd.s32 $0x20, s18  }
0x130: {  	[hbm4b:s22+s4] =	stream.linear.scatter [tilespmem:s21], [sflag:$0x5], $0x80, $0x38;
	[tilespmem:$0x19000] =	vst v63  }
0x131: {  	s23 =	simm.s32 $0x11658;
	s24 =	sadd.s32 $0x30, s18;
	s25 =	simm.s32 $0x116E0  }
0x132: {  	[hbm4b:s24+s4] =	stream.linear.scatter [tilespmem:s23], [sflag:$0x5], $0x80, $0x38;
	[tilespmem:$0x19000] =	vst v63  }
0x133: {  	s26 =	sadd.s32 $0x40, s18;
	s28 =	simm.s32 $0x11768;
	s29 =	sadd.s32 $0x50, s18  }
0x134: {  	[hbm4b:s26+s4] =	stream.linear.scatter [tilespmem:s25], [sflag:$0x5], $0x80, $0x38;
	[tilespmem:$0x19000] =	vst v63  }
0x135: {  	s30 =	simm.s32 $0x117F0;
	s31 =	sadd.s32 $0x60, s18;
	s19 =	simm.s32 $0x8800  }
0x136: {  	[hbm4b:s29+s4] =	stream.linear.scatter [tilespmem:s28], [sflag:$0x5], $0x80, $0x38;
	[tilespmem:$0x19000] =	vst v63  }
0x137: {  	s20 =	simm.s32 $0x11878;
	s21 =	sadd.s32 $0x70, s18;
	s18 =	sadd.s32 $0x10000, s18  }
0x138: {  	[hbm4b:s31+s4] =	stream.linear.scatter [tilespmem:s30], [sflag:$0x5], $0x80, $0x38;
	[tilespmem:$0x19000] =	vst v63  }
.LBB2_12:
0x139: {  	[hbm4b:s21+s4] =	stream.linear.scatter [tilespmem:s20], [sflag:$0x5], $0x80, $0x38;
	[tilespmem:$0x19000] =	vst v63  }
0x13a: {  	s0 =	smov.u32 s16;
	s6 =	smov.u32 s19  }
0x13b: {  	s16 =	sshra.s32 s6, $0x2;
	s6 =	sadd.s32 $0x4400, s19;
	s8 =	sadd.s32 $0x114C0, s0  }
0x13c: {  	[hbm4b:s18+s4] =	stream.linear.scatter [tilespmem:s8], [sflag:$0x5], $0x80, $0x38;
	[tilespmem:$0x19000] =	vst v63  }
0x13d: {  	p0 =	seq.s32 s19, $0x1DC00;
	s13 =	sadd.s32 $0x10, s18;
	s8 =	sadd.s32 $0x11548, s0  }
0x13e: {  	[hbm4b:s13+s4] =	stream.linear.scatter [tilespmem:s8], [sflag:$0x5], $0x80, $0x38;
	[tilespmem:$0x19000] =	vst v63  }
0x13f: {  	s8 =	sadd.s32 $0x115D0, s0;
	s13 =	sadd.s32 $0x20, s18  }
0x140: {  	[hbm4b:s13+s4] =	stream.linear.scatter [tilespmem:s8], [sflag:$0x5], $0x80, $0x38;
	[tilespmem:$0x19000] =	vst v63  }
0x141: {  	s8 =	sadd.s32 $0x11658, s0;
	s13 =	sadd.s32 $0x30, s18  }
0x142: {  	[hbm4b:s13+s4] =	stream.linear.scatter [tilespmem:s8], [sflag:$0x5], $0x80, $0x38;
	[tilespmem:$0x19000] =	vst v63  }
0x143: {  	s8 =	sadd.s32 $0x116E0, s0;
	s13 =	sadd.s32 $0x40, s18  }
0x144: {  	[hbm4b:s13+s4] =	stream.linear.scatter [tilespmem:s8], [sflag:$0x5], $0x80, $0x38;
	[tilespmem:$0x19000] =	vst v63  }
.Ltmp4:
0x145: {  	s8 =	sadd.s32 $0x11768, s0;
	s13 =	sadd.s32 $0x50, s18;
	(pc) =	sbr.rel @!p0 .LBB2_12-.Ltmp4, $4  }
0x146: {  	[hbm4b:s13+s4] =	stream.linear.scatter [tilespmem:s8], [sflag:$0x5], $0x80, $0x38;
	[tilespmem:$0x19000] =	vst v63  }
0x147: {  	s21 =	sadd.s32 $0x70, s18;
	s8 =	sadd.s32 $0x117F0, s0;
	s13 =	sadd.s32 $0x60, s18  }
0x148: {  	[hbm4b:s13+s4] =	stream.linear.scatter [tilespmem:s8], [sflag:$0x5], $0x80, $0x38;
	[tilespmem:$0x19000] =	vst v63  }
0x149: {  	s20 =	sadd.s32 $0x11878, s0;
	s19 =	smov.u32 s6;
	s18 =	sadd.s32 $0x10000, s18  }
0x14a: {  	[hbm4b:s21+s4] =	stream.linear.scatter [tilespmem:s20], [sflag:$0x5], $0x80, $0x38;
	[tilespmem:$0x19000] =	vst v63  }
0x14b: {  	s0 =	sadd.s32 $0x114C0, s16  }
0x14c: {  	[hbm4b:s18+s4] =	stream.linear.scatter [tilespmem:s0], [sflag:$0x5], $0x80, $0x38;
	[tilespmem:$0x19000] =	vst v63  }
0x14d: {  	s15 =	sadd.s32 $0x11548, s16;
	s6 =	sadd.s32 $0x10, s18  }
0x14e: {  	[hbm4b:s6+s4] =	stream.linear.scatter [tilespmem:s15], [sflag:$0x5], $0x80, $0x38;
	[tilespmem:$0x19000] =	vst v63  }
0x14f: {  	s19 =	sadd.s32 $0x115D0, s16;
	s20 =	sadd.s32 $0x20, s18  }
0x150: {  	[hbm4b:s20+s4] =	stream.linear.scatter [tilespmem:s19], [sflag:$0x5], $0x80, $0x38;
	[tilespmem:$0x19000] =	vst v63  }
0x151: {  	s21 =	sadd.s32 $0x11658, s16;
	s22 =	sadd.s32 $0x30, s18  }
0x152: {  	[hbm4b:s22+s4] =	stream.linear.scatter [tilespmem:s21], [sflag:$0x5], $0x80, $0x38;
	[tilespmem:$0x19000] =	vst v63  }
0x153: {  	s23 =	sadd.s32 $0x116E0, s16;
	s24 =	sadd.s32 $0x40, s18  }
0x154: {  	[hbm4b:s24+s4] =	stream.linear.scatter [tilespmem:s23], [sflag:$0x5], $0x80, $0x38;
	[tilespmem:$0x19000] =	vst v63  }
0x155: {  	s25 =	sadd.s32 $0x11768, s16;
	s26 =	sadd.s32 $0x50, s18  }
0x156: {  	[hbm4b:s26+s4] =	stream.linear.scatter [tilespmem:s25], [sflag:$0x5], $0x80, $0x38;
	[tilespmem:$0x19000] =	vst v63  }
0x157: {  	s28 =	sadd.s32 $0x117F0, s16;
	s29 =	sadd.s32 $0x60, s18  }
0x158: {  	[hbm4b:s29+s4] =	stream.linear.scatter [tilespmem:s28], [sflag:$0x5], $0x80, $0x38;
	[tilespmem:$0x19000] =	vst v63  }
0x159: {  	s30 =	sadd.s32 $0x11878, s16;
	s31 =	sadd.s32 $0x70, s18  }
0x15a: {  	[hbm4b:s31+s4] =	stream.linear.scatter [tilespmem:s30], [sflag:$0x5], $0x80, $0x38;
	[tilespmem:$0x19000] =	vst v63  }
0x15b: {  	p0 =	seq.s32 s17, $0x64  }
.Ltmp5:
0x15c: {  	_ = 	snop;
	(pc) =	sbr.rel @!p0 .LBB2_3-.Ltmp5, $2  }
0x15d: {  	_ =	sdelay $0x2  }
0x15e: {  	s16 =	smov.u32 s17  }
0x15f: {  	_ =	swait.ge [sflag:s2], $0x2000  }
0x160: {  	[sflag:s2] =	ssyncset.done $0x0  }
0x161: {  	[sflag:s2] =	ssyncadd.s32 $0xFFFFE000  }
0x162: {  	_ =	swait.ge [sflag:s2], $0x2000  }
0x163: {  	[sflag:s2] =	ssyncset.done $0x0  }
0x164: {  	[sflag:s2] =	ssyncadd.s32 $0xFFFFE000  }
0x165: {  	_ =	swait.ge [sflag:s2], $0x2000  }
0x166: {  	[sflag:s2] =	ssyncset.done $0x0  }
0x167: {  	[sflag:s2] =	ssyncadd.s32 $0xFFFFE000  }
0x168: {  	_ =	swait.ge [sflag:s2], $0x2000  }
0x169: {  	s6 =	rddreg [dreg:$0x7]  }
0x16a: {  	s0 =	rddreg [dreg:$0x6];
	s6 =	sadd.s32 $0x1, s6  }
0x16b: {  	p0 =	sne.s32 s6, s0  }
.Ltmp6:
0x16c: {  	_ = 	snop;
	(pc) =	sbr.rel @p0 .LBB2_1-.Ltmp6, $3  }
0x16d: {  	_ =	sdelay $0x1  }
0x16e: {  	[sflag:s2] =	ssyncset.done $0x0  }
0x16f: {  	[sflag:s2] =	ssyncadd.s32 $0xFFFFE000  }
0x170: {  	_ =	sfence.sel $0x180000  }
0x171: {  	[bflag:$0x0] =	sbarrier.arrive $0xFFFF  }
0x172: {  	_ =	strace $0x90000047  }
0x173: {  	s0 =	stileid.u32;
	[bflag:$0x2] =	sbarrier.arrive $0xFFFF  }
0x174: {  	p0 =	sne.s32 s0, $0x0;
	s0 =	rddreg [dreg:$0x3]  }
0x175: {  	s0 =	sadd.s32 @!p0 $0x100000, s0  }
0x176: {  	[sflag:s0] =	ssyncadd.tile.s32 @!p0 $0x1;
	_ =	shalt  }
.Lfunc_end2:
_tile_overlayer_lowered:
.L_overlay_start_2:
0x177: {  	(tag) =	ssettag $0x2  }
0x178: {  	s0 =	rddreg [dreg:$0x0];
	s2 =	stileid.u32  }
0x179: {  	s1 =	rddreg [dreg:$0x1];
	p0 =	sne.s32 s2, $0x0  }
0x17a: {  	s3 =	rddreg [dreg:$0x2];
	[bflag:$0x3] =	sbarrier.arrive $0xFFFF;
	s2 =	simm.s32 @!p0 $0x1C06  }
0x17b: {  	[timem:s3], [sflag:s2] =	dma.local @!p0 [hbm:s0], s1  }
0x17c: {  	s0 =	simm.s32 @!p0 $0x6  }
0x17d: {  	_ =	swait.ge @!p0 [sflag:s0], s1  }
0x17e: {  	s1 =	ssub.s32 @!p0 $0x0, s1;
	[sflag:s0] =	ssyncset.done @!p0 $0x0  }
0x17f: {  	[sflag:s0] =	ssyncadd.s32 @!p0 s1  }
0x180: {  	[bflag:$0x3] =	sbarrier.arrive $0xFFFF  }
0x181: {  	_ =	shalt  }

</sc_bundles>
